<compile_context>
chip_gen: v7x
topology: tpu7x:2x2x1
jax: 0.10.2.dev20260603
libtpu: 0.0.44.dev20260713+nightly
codegen_flags: <defaults>
</compile_context>

<pallas_src>
import functools

import jax
import jax.numpy as jnp
from jax import lax
from jax.experimental import pallas as pl
from jax.experimental.pallas import tpu as pltpu
from jax.experimental.pallas import tpu_sc as plsc

N = 100000
E = 1600000
NC = 2
NS = 16
NW = NC * NS
CH = 128
IB = 32
STEPS = 416
NBLK = STEPS // IB
E_PAD = NW * STEPS * CH
N_ACC = 100096
ACC_PT = N_ACC // NS
NACCD = 114688
ACC_PTD = NACCD // NS


NBUF = 4
GRP = IB // NBUF


def _pipelined_edge_loop(table_hbm, row_ix, col_ix, acc,
                         rowbuf, colbuf, gbufs, sems, nblk):
    def block(blk, carry):
        off = pl.multiple_of(blk * IB, IB)
        pltpu.sync_copy(row_ix(off), rowbuf)
        pltpu.sync_copy(col_ix(off), colbuf)
        for b in range(NBUF):
            pltpu.async_copy(table_hbm.at[rowbuf.at[b]], gbufs[b], sems[b])

        def group(g, carry2):
            base = g * NBUF
            for b in range(NBUF):
                j = base + b
                pltpu.make_async_copy(table_hbm.at[rowbuf.at[j]],
                                      gbufs[b], sems[b]).wait()
                pltpu.sync_copy(gbufs[b], acc.at[colbuf.at[j]], add=True)
                pltpu.async_copy(table_hbm.at[rowbuf.at[j + NBUF]],
                                 gbufs[b], sems[b])
            return carry2

        lax.fori_loop(0, GRP - 1, group, 0)
        for b in range(NBUF):
            j = (GRP - 1) * NBUF + b
            pltpu.make_async_copy(table_hbm.at[rowbuf.at[j]],
                                  gbufs[b], sems[b]).wait()
            pltpu.sync_copy(gbufs[b], acc.at[colbuf.at[j]], add=True)
        return carry

    lax.fori_loop(0, nblk, block, 0)


def _spmm_scratch(D):
    return [
        pltpu.VMEM((IB, CH), jnp.int32),
        pltpu.VMEM((IB, CH), jnp.int32),
    ] + [pltpu.VMEM((CH, D), jnp.float32) for _ in range(NBUF)] + [
        pltpu.VMEM_SHARED((N_ACC, D), jnp.float32),
    ] + [pltpu.SemaphoreType.DMA for _ in range(NBUF)]


def _make_spmm_split(D):
    mesh = plsc.VectorSubcoreMesh(core_axis_name="c", subcore_axis_name="s")

    @functools.partial(
        pl.kernel,
        out_type=jax.ShapeDtypeStruct((NC, N_ACC, D), jnp.float32),
        mesh=mesh,
        scratch_types=_spmm_scratch(D),
        compiler_params=pltpu.CompilerParams(use_tc_tiling_on_sc=False),
    )
    def spmm(table_hbm, row_hbm, col_hbm, zeros_hbm, out_hbm,
             rowbuf, colbuf, g0, g1, g2, g3, acc, s0, s1, s2, s3):
        c = lax.axis_index("c")
        s = lax.axis_index("s")
        w = c * NS + s
        pltpu.sync_copy(zeros_hbm.at[pl.ds(s * ACC_PT, ACC_PT)],
                        acc.at[pl.ds(s * ACC_PT, ACC_PT)])
        plsc.subcore_barrier()
        _pipelined_edge_loop(
            table_hbm,
            lambda off: row_hbm.at[w, pl.ds(off, IB)],
            lambda off: col_hbm.at[w, pl.ds(off, IB)],
            acc, rowbuf, colbuf, (g0, g1, g2, g3), (s0, s1, s2, s3), NBLK)
        plsc.subcore_barrier()
        pltpu.sync_copy(acc.at[pl.ds(s * ACC_PT, ACC_PT)],
                        out_hbm.at[c, pl.ds(s * ACC_PT, ACC_PT)])

    return spmm


def _make_spmm_chunked(D, steps2, nblk2):
    mesh = plsc.VectorSubcoreMesh(core_axis_name="c", subcore_axis_name="s")

    @functools.partial(
        pl.kernel,
        out_type=jax.ShapeDtypeStruct((N_ACC, NC, D), jnp.float32),
        mesh=mesh,
        scratch_types=_spmm_scratch(D),
        compiler_params=pltpu.CompilerParams(use_tc_tiling_on_sc=False),
    )
    def spmm(table_hbm, row_hbm, col_hbm, zeros_hbm, out_hbm,
             rowbuf, colbuf, g0, g1, g2, g3, acc, s0, s1, s2, s3):
        c = lax.axis_index("c")
        s = lax.axis_index("s")
        pltpu.sync_copy(zeros_hbm.at[pl.ds(s * ACC_PT, ACC_PT)],
                        acc.at[pl.ds(s * ACC_PT, ACC_PT)])
        plsc.subcore_barrier()
        _pipelined_edge_loop(
            table_hbm,
            lambda off: row_hbm.at[c, s, pl.ds(off, IB)],
            lambda off: col_hbm.at[s, pl.ds(off, IB)],
            acc, rowbuf, colbuf, (g0, g1, g2, g3), (s0, s1, s2, s3), nblk2)
        plsc.subcore_barrier()
        pltpu.sync_copy(acc.at[pl.ds(s * ACC_PT, ACC_PT)],
                        out_hbm.at[pl.ds(s * ACC_PT, ACC_PT), c])

    return spmm


def _make_deg():
    mesh = plsc.VectorSubcoreMesh(core_axis_name="c", subcore_axis_name="s")

    @functools.partial(
        pl.kernel,
        out_type=jax.ShapeDtypeStruct((NC * NACCD,), jnp.float32),
        mesh=mesh,
        scratch_types=[
            pltpu.VMEM((IB, CH), jnp.int32),
            pltpu.VMEM((CH,), jnp.float32),
            pltpu.VMEM_SHARED((NACCD,), jnp.float32),
        ],
        compiler_params=pltpu.CompilerParams(use_tc_tiling_on_sc=False),
    )
    def deg(col_hbm, ones_hbm, zeros_hbm, out_hbm, colbuf, onesbuf, acc):
        c = lax.axis_index("c")
        s = lax.axis_index("s")
        w = c * NS + s
        pltpu.sync_copy(ones_hbm, onesbuf)
        pltpu.sync_copy(zeros_hbm.at[pl.ds(s * ACC_PTD, ACC_PTD)],
                        acc.at[pl.ds(s * ACC_PTD, ACC_PTD)])
        plsc.subcore_barrier()

        def block(blk, carry):
            off = pl.multiple_of(blk * IB, IB)
            pltpu.sync_copy(col_hbm.at[w, pl.ds(off, IB)], colbuf)

            def body(i, carry2):
                pltpu.sync_copy(onesbuf, acc.at[colbuf.at[i]], add=True)
                return carry2

            lax.fori_loop(0, IB, body, 0)
            return carry

        lax.fori_loop(0, NBLK, block, 0)
        plsc.subcore_barrier()
        pltpu.sync_copy(acc.at[pl.ds(s * ACC_PTD, ACC_PTD)],
                        out_hbm.at[pl.ds(c * NACCD + s * ACC_PTD, ACC_PTD)])

    return deg



N_PK = N_ACC
B1R = 512
G1 = -(-(N_PK // 16) // B1R)
BP3 = 1000
G3 = (N // 4) // BP3


def _p1_body(dis16_ref, k8_ref, k32_ref, dis8_ref, dis32_ref):
    d = dis16_ref[...]
    dis8_ref[...] = jnp.dot(d, k8_ref[...],
                            preferred_element_type=jnp.float32)
    dis32_ref[...] = jnp.dot(d, k32_ref[...],
                             preferred_element_type=jnp.float32)


def _p2_body(s1_ref, dis8_ref, dis32_ref, w1_ref, b1_ref, w2_ref, g2_ref):
    t = (s1_ref[0, :, :] + s1_ref[1, :, :]) * dis8_ref[...]
    h1 = jnp.dot(t, w1_ref[...], preferred_element_type=jnp.float32)
    h1 = jnp.maximum(h1 + b1_ref[...], 0.0)
    g2 = jnp.dot(h1, w2_ref[...], preferred_element_type=jnp.float32)
    g2_ref[...] = g2 * dis32_ref[...]


def _p3_body(s2_ref, dis32_ref, b2_ref, wc_ref, bc_ref, pswap_ref, out_ref):
    u = s2_ref[...] * dis32_ref[...] + b2_ref[...]
    h2 = jnp.maximum(u, 0.0)
    l = jnp.dot(h2, wc_ref[...], preferred_element_type=jnp.float32)
    l = l + bc_ref[...]
    ls = jnp.dot(l, pswap_ref[...], preferred_element_type=jnp.float32)
    m = jnp.maximum(l, ls)
    lse = jnp.log(jnp.exp(l - m) + jnp.exp(ls - m)) + m
    out_ref[...] = l - lse


def _full_spec(shape):
    nd = len(shape)
    return pl.BlockSpec(shape, lambda i: (0,) * nd)


def kernel(x, edge_index, W1, b1, W2, b2, Wc, bc):
    loops = jnp.arange(N, dtype=jnp.int32)
    row = jnp.concatenate([edge_index[0].astype(jnp.int32), loops])
    col = jnp.concatenate([edge_index[1].astype(jnp.int32), loops])
    pad = E_PAD - (E + N)
    rowp = jnp.concatenate([row, jnp.zeros((pad,), jnp.int32)])
    colp = jnp.concatenate([col, jnp.full((pad,), N, jnp.int32)])
    row3 = rowp.reshape(NW, STEPS, CH)
    col3 = colp.reshape(NW, STEPS, CH)
    steps2 = E_PAD // (NS * CH)
    nblk2 = steps2 // IB
    row2 = jnp.stack([2 * rowp, 2 * rowp + 1]).reshape(NC, NS, steps2, CH)
    col2 = colp.reshape(NS, steps2, CH)

    w1p = jnp.pad(W1, ((0, 1), (0, 0)))
    eye16 = jnp.eye(16, dtype=jnp.float32)
    w1big = jnp.kron(eye16, w1p)
    w2big = jnp.kron(eye16, W2)
    wc4 = jnp.kron(jnp.eye(4, dtype=jnp.float32), Wc)
    pswap = jnp.kron(jnp.eye(4, dtype=jnp.float32),
                     jnp.array([[0.0, 1.0], [1.0, 0.0]], jnp.float32))
    k8 = jnp.kron(eye16, jnp.ones((1, 8), jnp.float32))
    k32 = jnp.kron(eye16, jnp.ones((1, 32), jnp.float32))
    b1big = jnp.tile(b1, 16).reshape(1, 1024)
    b2big = jnp.tile(b2, 4).reshape(1, 128)
    bc4 = jnp.tile(bc, 4).reshape(1, 8)

    zeros1 = jnp.zeros((NACCD,), jnp.float32)
    zeros8 = jnp.zeros((N_ACC, 8), jnp.float32)
    zeros16 = jnp.zeros((N_ACC, 16), jnp.float32)
    ones = jnp.ones((CH,), jnp.float32)

    deg_part = _make_deg()(col3, ones, zeros1)
    dege = deg_part.reshape(NC, NACCD)[:, :N_PK].sum(axis=0)
    dis = lax.rsqrt(jnp.maximum(dege, 1.0))
    dis16 = dis.reshape(N_PK // 16, 16)

    xt8 = jnp.pad(x.T, ((0, 1), (0, N_PK - N)))
    g1 = (xt8 * dis[None, :]).T

    dis8p, dis32p = pl.pallas_call(
        _p1_body,
        grid=(G1,),
        in_specs=[pl.BlockSpec((B1R, 16), lambda i: (i, 0)),
                  _full_spec((16, 128)), _full_spec((16, 512))],
        out_specs=[pl.BlockSpec((B1R, 128), lambda i: (i, 0)),
                   pl.BlockSpec((B1R, 512), lambda i: (i, 0))],
        out_shape=[jax.ShapeDtypeStruct((N_PK // 16, 128), jnp.float32),
                   jax.ShapeDtypeStruct((N_PK // 16, 512), jnp.float32)],
    )(dis16, k8, k32)

    spmm8 = _make_spmm_split(8)
    spmm16 = _make_spmm_chunked(16, steps2, nblk2)

    s1 = spmm8(g1, row3, col3, zeros8)
    s1p = s1.reshape(NC, N_PK // 16, 128)

    g2p = pl.pallas_call(
        _p2_body,
        grid=(G1,),
        in_specs=[pl.BlockSpec((NC, B1R, 128), lambda i: (0, i, 0)),
                  pl.BlockSpec((B1R, 128), lambda i: (i, 0)),
                  pl.BlockSpec((B1R, 512), lambda i: (i, 0)),
                  _full_spec((128, 1024)), _full_spec((1, 1024)),
                  _full_spec((1024, 512))],
        out_specs=pl.BlockSpec((B1R, 512), lambda i: (i, 0)),
        out_shape=jax.ShapeDtypeStruct((N_PK // 16, 512), jnp.float32),
    )(s1p, dis8p, dis32p, w1big, b1big, w2big)

    s2 = spmm16(g2p.reshape(2 * N_PK, 16), row2, col2, zeros16)
    s2v = s2.reshape(N_PK // 4, 128)
    dis32v = dis32p.reshape(N_PK // 4, 128)

    out8 = pl.pallas_call(
        _p3_body,
        grid=(G3,),
        in_specs=[pl.BlockSpec((BP3, 128), lambda i: (i, 0)),
                  pl.BlockSpec((BP3, 128), lambda i: (i, 0)),
                  _full_spec((1, 128)), _full_spec((128, 8)),
                  _full_spec((1, 8)), _full_spec((8, 8))],
        out_specs=pl.BlockSpec((BP3, 8), lambda i: (i, 0)),
        out_shape=jax.ShapeDtypeStruct((N // 4, 8), jnp.float32),
    )(s2v, dis32v, b2big, wc4, bc4, pswap)

    return out8.reshape(N, 2)

# --- scband reference (transcript-rebuilt; emitter-appended) ---
"""Pipeline reference for scband-fake-review-gnn-67826123539051 (READ-ONLY COPY).

The authoritative reference and input builder live on the scoring server;
editing this copy changes nothing except your own understanding.
"""

import jax, jax.numpy as jnp
import numpy as np

N_NODES = 100000
N_EDGES = 1600000

def gcn_conv(x, edge_index, W, b):
    N = x.shape[0]
    loop = jnp.arange(N, dtype=edge_index.dtype)
    row = jnp.concatenate([edge_index[0], loop])
    col = jnp.concatenate([edge_index[1], loop])
    ones = jnp.ones(row.shape[0], dtype=x.dtype)
    deg = jax.ops.segment_sum(ones, col, num_segments=N)
    deg_inv_sqrt = jnp.where(deg > 0, deg ** -0.5, 0.0)
    norm = deg_inv_sqrt[row] * deg_inv_sqrt[col]
    h = x @ W
    msgs = norm[:, None] * jnp.take(h, row, axis=0)
    out = jax.ops.segment_sum(msgs, col, num_segments=N)
    return out + b

def setup_inputs(seed: int = 0) -> dict:
    key = jax.random.key(seed)
    ks = jax.random.split(key, 8)
    x = jax.random.normal(ks[0], (N_NODES, 7), dtype=jnp.float32)
    edge_index = jax.random.randint(ks[1], (2, N_EDGES), 0, N_NODES, dtype=jnp.int64)
    W1 = jax.random.normal(ks[2], (7, 64), dtype=jnp.float32) * (1.0 / np.sqrt(7))
    b1 = jnp.zeros((64,), dtype=jnp.float32)
    W2 = jax.random.normal(ks[3], (64, 32), dtype=jnp.float32) * (1.0 / np.sqrt(64))
    b2 = jnp.zeros((32,), dtype=jnp.float32)
    Wc = jax.random.normal(ks[4], (32, 2), dtype=jnp.float32) * (1.0 / np.sqrt(32))
    bc = jnp.zeros((2,), dtype=jnp.float32)
    return {"x": x, "edge_index": edge_index, "W1": W1, "b1": b1, "W2": W2, "b2": b2, "Wc": Wc, "bc": bc}

def reference(x, edge_index, W1, b1, W2, b2, Wc, bc):
    h = jax.nn.relu(gcn_conv(x, edge_index, W1, b1))
    # dropout p=0.3 only active in training; eval mode -> identity
    h = jax.nn.relu(gcn_conv(h, edge_index, W2, b2))
    logits = h @ Wc + bc
    return jax.nn.log_softmax(logits, axis=1)

if __name__ == "__main__":
    import jax
    _d = setup_inputs()
    print(jax.jit(kernel)(*tuple(_d.values())))

</pallas_src>

<mosaic_0001>
#map = affine_map<(d0, d1) -> (0, 0, 0)>
#map1 = affine_map<(d0, d1) -> (0)>
module attributes {stable_mosaic.version = 14 : i64} {
  func.func @deg(%arg0: i32, %arg1: i32, %arg2: memref<32x416x128xi32, #tpu.memory_space<hbm>>, %arg3: memref<128xf32, #tpu.memory_space<hbm>>, %arg4: memref<114688xf32, #tpu.memory_space<hbm>>, %arg5: memref<229376xf32, #tpu.memory_space<hbm>>, %arg6: memref<32x128xi32, #tpu.memory_space<vmem>>, %arg7: memref<128xf32, #tpu.memory_space<vmem>>, %arg8: memref<114688xf32, #tpu.memory_space<vmem_shared>>) attributes {dimension_semantics = [#tpu.dimension_semantics<core_parallel>, #tpu.dimension_semantics<subcore_parallel>], iteration_bounds = array<i64: 2, 16>, scalar_prefetch = 0 : i64, scratch_operands = 3 : i64, tpu.core_type = #tpu.core_type<sc_vector_subcore>, window_params = [{transform_indices = #map}, {transform_indices = #map1}, {transform_indices = #map1}, {transform_indices = #map1}]} {
    %mul3A = arith.constant 16 : i32
    %mul3A_0 = arith.muli %arg0, %mul3A : i32
    %add3A = arith.addi %mul3A_0, %arg1 : i32
    "tpu.region"() ({
      %run_scoped3A = tpu.sem_alloc : memref<!tpu.dma_semaphore, #tpu.memory_space<semaphore_mem>>
      tpu.enqueue_dma source(%arg3 : memref<128xf32, #tpu.memory_space<hbm>>) target(%arg7 : memref<128xf32, #tpu.memory_space<vmem>>) target_semaphore(%run_scoped3A : memref<!tpu.dma_semaphore, #tpu.memory_space<semaphore_mem>>)
      tpu.wait_dma2 semaphore(%run_scoped3A : memref<!tpu.dma_semaphore, #tpu.memory_space<semaphore_mem>>) src(%arg3 : memref<128xf32, #tpu.memory_space<hbm>>) dst(%arg7 : memref<128xf32, #tpu.memory_space<vmem>>)
      tpu.yield
    }) : () -> ()
    %mul3A_1 = arith.constant 7168 : i32
    %mul3A_2 = arith.muli %arg1, %mul3A_1 : i32
    %mul3A_3 = arith.constant 7168 : i32
    %mul3A_4 = arith.muli %arg1, %mul3A_3 : i32
    "tpu.region"() ({
      %run_scoped3A = tpu.sem_alloc : memref<!tpu.dma_semaphore, #tpu.memory_space<semaphore_mem>>
      %dma_start3A = tpu.memref_slice %arg8[%mul3A_4] : memref<114688xf32, #tpu.memory_space<vmem_shared>> -> memref<7168xf32, #tpu.memory_space<vmem_shared>>
      %dma_start3A_18 = tpu.memref_slice %arg4[%mul3A_2] : memref<114688xf32, #tpu.memory_space<hbm>> -> memref<7168xf32, #tpu.memory_space<hbm>>
      tpu.enqueue_dma source(%dma_start3A_18 : memref<7168xf32, #tpu.memory_space<hbm>>) target(%dma_start3A : memref<7168xf32, #tpu.memory_space<vmem_shared>>) target_semaphore(%run_scoped3A : memref<!tpu.dma_semaphore, #tpu.memory_space<semaphore_mem>>)
      %dma_wait3A = tpu.memref_slice %arg8[%mul3A_4] : memref<114688xf32, #tpu.memory_space<vmem_shared>> -> memref<7168xf32, #tpu.memory_space<vmem_shared>>
      %dma_wait3A_19 = tpu.memref_slice %arg4[%mul3A_2] : memref<114688xf32, #tpu.memory_space<hbm>> -> memref<7168xf32, #tpu.memory_space<hbm>>
      tpu.wait_dma2 semaphore(%run_scoped3A : memref<!tpu.dma_semaphore, #tpu.memory_space<semaphore_mem>>) src(%dma_wait3A_19 : memref<7168xf32, #tpu.memory_space<hbm>>) dst(%dma_wait3A : memref<7168xf32, #tpu.memory_space<vmem_shared>>)
      tpu.yield
    }) : () -> ()
    %barrier3A = arith.constant 0 : index
    tpu.barrier barrier_id(%barrier3A)
    %scan3A = arith.constant 0 : i32
    %scan3A_5 = arith.constant 0 : i32
    %scan3A_6 = arith.constant 13 : i32
    %scan3A_7 = arith.addi %scan3A_5, %scan3A_6 : i32
    %scan3A_8 = arith.constant 1 : i32
    scf.for %scan3A_18 = %scan3A_5 to %scan3A_7 step %scan3A_8  : i32 {
      %mul3A_19 = arith.constant 32 : i32
      %mul3A_20 = arith.muli %scan3A_18, %mul3A_19 : i32
      %multiple_of3A = tpu.assume_multiple %mul3A_20, 32 : i32
      "tpu.region"() ({
        %run_scoped3A = tpu.sem_alloc : memref<!tpu.dma_semaphore, #tpu.memory_space<semaphore_mem>>
        %dma_start3A = arith.constant 0 : i32
        %dma_start3A_27 = tpu.memref_slice %arg2[%add3A, %multiple_of3A, %dma_start3A] : memref<32x416x128xi32, #tpu.memory_space<hbm>> -> memref<1x32x128xi32, #tpu.memory_space<hbm>>
        %dma_start3A_28 = tpu.memref_squeeze %dma_start3A_27 : memref<1x32x128xi32, #tpu.memory_space<hbm>> -> memref<32x128xi32, #tpu.memory_space<hbm>>
        %dma_start3A_29 = arith.constant 0 : i32
        %dma_start3A_30 = tpu.memref_slice %arg2[%add3A, %multiple_of3A, %dma_start3A_29] : memref<32x416x128xi32, #tpu.memory_space<hbm>> -> memref<1x32x128xi32, #tpu.memory_space<hbm>>
        %dma_start3A_31 = tpu.memref_squeeze %dma_start3A_30 : memref<1x32x128xi32, #tpu.memory_space<hbm>> -> memref<32x128xi32, #tpu.memory_space<hbm>>
        tpu.enqueue_dma source(%dma_start3A_31 : memref<32x128xi32, #tpu.memory_space<hbm>>) target(%arg6 : memref<32x128xi32, #tpu.memory_space<vmem>>) target_semaphore(%run_scoped3A : memref<!tpu.dma_semaphore, #tpu.memory_space<semaphore_mem>>)
        %dma_wait3A = arith.constant 0 : i32
        %dma_wait3A_32 = tpu.memref_slice %arg2[%add3A, %multiple_of3A, %dma_wait3A] : memref<32x416x128xi32, #tpu.memory_space<hbm>> -> memref<1x32x128xi32, #tpu.memory_space<hbm>>
        %dma_wait3A_33 = tpu.memref_squeeze %dma_wait3A_32 : memref<1x32x128xi32, #tpu.memory_space<hbm>> -> memref<32x128xi32, #tpu.memory_space<hbm>>
        %dma_wait3A_34 = arith.constant 0 : i32
        %dma_wait3A_35 = tpu.memref_slice %arg2[%add3A, %multiple_of3A, %dma_wait3A_34] : memref<32x416x128xi32, #tpu.memory_space<hbm>> -> memref<1x32x128xi32, #tpu.memory_space<hbm>>
        %dma_wait3A_36 = tpu.memref_squeeze %dma_wait3A_35 : memref<1x32x128xi32, #tpu.memory_space<hbm>> -> memref<32x128xi32, #tpu.memory_space<hbm>>
        tpu.wait_dma2 semaphore(%run_scoped3A : memref<!tpu.dma_semaphore, #tpu.memory_space<semaphore_mem>>) src(%dma_wait3A_36 : memref<32x128xi32, #tpu.memory_space<hbm>>) dst(%arg6 : memref<32x128xi32, #tpu.memory_space<vmem>>)
        tpu.yield
      }) : () -> ()
      %scan3A_21 = arith.constant 0 : i32
      %scan3A_22 = arith.constant 0 : i32
      %scan3A_23 = arith.constant 32 : i32
      %scan3A_24 = arith.addi %scan3A_22, %scan3A_23 : i32
      %scan3A_25 = arith.constant 1 : i32
      scf.for %scan3A_27 = %scan3A_22 to %scan3A_24 step %scan3A_25  : i32 {
        "tpu.region"() ({
          %run_scoped3A = tpu.sem_alloc : memref<!tpu.dma_semaphore, #tpu.memory_space<semaphore_mem>>
          %dma_start3A = arith.constant 0 : i32
          %dma_start3A_28 = tpu.memref_slice %arg6[%scan3A_27, %dma_start3A] : memref<32x128xi32, #tpu.memory_space<vmem>> -> memref<1x128xi32, #tpu.memory_space<vmem>>
          %dma_start3A_29 = tpu.memref_squeeze %dma_start3A_28 : memref<1x128xi32, #tpu.memory_space<vmem>> -> memref<128xi32, #tpu.memory_space<vmem>>
          %dma_start3A_30 = arith.constant 0 : i32
          %dma_start3A_31 = tpu.memref_slice %arg8[%dma_start3A_30] : memref<114688xf32, #tpu.memory_space<vmem_shared>> -> memref<114688xf32, #tpu.memory_space<vmem_shared>>
          tpu.enqueue_indirect_dma source(%arg7 : memref<128xf32, #tpu.memory_space<vmem>>) target(%dma_start3A_31 : memref<114688xf32, #tpu.memory_space<vmem_shared>>) offsets(%dma_start3A_29 : memref<128xi32, #tpu.memory_space<vmem>>) semaphore(%run_scoped3A : memref<!tpu.dma_semaphore, #tpu.memory_space<semaphore_mem>>) {add = true}
          %dma_wait3A = arith.constant 0 : i32
          %dma_wait3A_32 = tpu.memref_slice %arg6[%scan3A_27, %dma_wait3A] : memref<32x128xi32, #tpu.memory_space<vmem>> -> memref<1x128xi32, #tpu.memory_space<vmem>>
          %dma_wait3A_33 = tpu.memref_squeeze %dma_wait3A_32 : memref<1x128xi32, #tpu.memory_space<vmem>> -> memref<128xi32, #tpu.memory_space<vmem>>
          %dma_wait3A_34 = arith.constant 0 : i32
          %dma_wait3A_35 = tpu.memref_slice %arg8[%dma_wait3A_34] : memref<114688xf32, #tpu.memory_space<vmem_shared>> -> memref<114688xf32, #tpu.memory_space<vmem_shared>>
          tpu.wait_indirect_dma semaphore(%run_scoped3A : memref<!tpu.dma_semaphore, #tpu.memory_space<semaphore_mem>>) src(%arg7 : memref<128xf32, #tpu.memory_space<vmem>>) dst(%dma_wait3A_35 : memref<114688xf32, #tpu.memory_space<vmem_shared>>)
          tpu.yield
        }) : () -> ()
      }
      %scan3A_26 = arith.constant 32 : i32
    }
    %scan3A_9 = arith.constant 13 : i32
    %barrier3A_10 = arith.constant 0 : index
    tpu.barrier barrier_id(%barrier3A_10)
    %mul3A_11 = arith.constant 7168 : i32
    %mul3A_12 = arith.muli %arg1, %mul3A_11 : i32
    %mul3A_13 = arith.constant 114688 : i32
    %mul3A_14 = arith.muli %arg0, %mul3A_13 : i32
    %mul3A_15 = arith.constant 7168 : i32
    %mul3A_16 = arith.muli %arg1, %mul3A_15 : i32
    %add3A_17 = arith.addi %mul3A_14, %mul3A_16 : i32
    "tpu.region"() ({
      %run_scoped3A = tpu.sem_alloc : memref<!tpu.dma_semaphore, #tpu.memory_space<semaphore_mem>>
      %dma_start3A = tpu.memref_slice %arg5[%add3A_17] : memref<229376xf32, #tpu.memory_space<hbm>> -> memref<7168xf32, #tpu.memory_space<hbm>>
      %dma_start3A_18 = tpu.memref_slice %arg8[%mul3A_12] : memref<114688xf32, #tpu.memory_space<vmem_shared>> -> memref<7168xf32, #tpu.memory_space<vmem_shared>>
      tpu.enqueue_dma source(%dma_start3A_18 : memref<7168xf32, #tpu.memory_space<vmem_shared>>) target(%dma_start3A : memref<7168xf32, #tpu.memory_space<hbm>>) target_semaphore(%run_scoped3A : memref<!tpu.dma_semaphore, #tpu.memory_space<semaphore_mem>>)
      %dma_wait3A = tpu.memref_slice %arg5[%add3A_17] : memref<229376xf32, #tpu.memory_space<hbm>> -> memref<7168xf32, #tpu.memory_space<hbm>>
      %dma_wait3A_19 = tpu.memref_slice %arg8[%mul3A_12] : memref<114688xf32, #tpu.memory_space<vmem_shared>> -> memref<7168xf32, #tpu.memory_space<vmem_shared>>
      tpu.wait_dma2 semaphore(%run_scoped3A : memref<!tpu.dma_semaphore, #tpu.memory_space<semaphore_mem>>) src(%dma_wait3A_19 : memref<7168xf32, #tpu.memory_space<vmem_shared>>) dst(%dma_wait3A : memref<7168xf32, #tpu.memory_space<hbm>>)
      tpu.yield
    }) : () -> ()
    return
  }
}

#map = affine_map<(d0, d1) -> (0, 0)>
#map1 = affine_map<(d0, d1) -> (0, 0, 0)>
module attributes {stable_mosaic.version = 14 : i64} {
  func.func @spmm(%arg0: i32, %arg1: i32, %arg2: memref<100096x8xf32, #tpu.memory_space<hbm>>, %arg3: memref<32x416x128xi32, #tpu.memory_space<hbm>>, %arg4: memref<32x416x128xi32, #tpu.memory_space<hbm>>, %arg5: memref<100096x8xf32, #tpu.memory_space<hbm>>, %arg6: memref<2x100096x8xf32, #tpu.memory_space<hbm>>, %arg7: memref<32x128xi32, #tpu.memory_space<vmem>>, %arg8: memref<32x128xi32, #tpu.memory_space<vmem>>, %arg9: memref<128x8xf32, #tpu.memory_space<vmem>>, %arg10: memref<128x8xf32, #tpu.memory_space<vmem>>, %arg11: memref<128x8xf32, #tpu.memory_space<vmem>>, %arg12: memref<128x8xf32, #tpu.memory_space<vmem>>, %arg13: memref<100096x8xf32, #tpu.memory_space<vmem_shared>>, %arg14: memref<!tpu.dma_semaphore, #tpu.memory_space<semaphore_mem>>, %arg15: memref<!tpu.dma_semaphore, #tpu.memory_space<semaphore_mem>>, %arg16: memref<!tpu.dma_semaphore, #tpu.memory_space<semaphore_mem>>, %arg17: memref<!tpu.dma_semaphore, #tpu.memory_space<semaphore_mem>>) attributes {dimension_semantics = [#tpu.dimension_semantics<core_parallel>, #tpu.dimension_semantics<subcore_parallel>], iteration_bounds = array<i64: 2, 16>, scalar_prefetch = 0 : i64, scratch_operands = 11 : i64, tpu.core_type = #tpu.core_type<sc_vector_subcore>, window_params = [{transform_indices = #map}, {transform_indices = #map1}, {transform_indices = #map1}, {transform_indices = #map}, {transform_indices = #map1}]} {
    %mul3A = arith.constant 16 : i32
    %mul3A_0 = arith.muli %arg0, %mul3A : i32
    %add3A = arith.addi %mul3A_0, %arg1 : i32
    %mul3A_1 = arith.constant 6256 : i32
    %mul3A_2 = arith.muli %arg1, %mul3A_1 : i32
    %mul3A_3 = arith.constant 6256 : i32
    %mul3A_4 = arith.muli %arg1, %mul3A_3 : i32
    "tpu.region"() ({
      %run_scoped3A = tpu.sem_alloc : memref<!tpu.dma_semaphore, #tpu.memory_space<semaphore_mem>>
      %dma_start3A = arith.constant 0 : i32
      %dma_start3A_15 = tpu.memref_slice %arg13[%mul3A_4, %dma_start3A] : memref<100096x8xf32, #tpu.memory_space<vmem_shared>> -> memref<6256x8xf32, #tpu.memory_space<vmem_shared>>
      %dma_start3A_16 = arith.constant 0 : i32
      %dma_start3A_17 = tpu.memref_slice %arg5[%mul3A_2, %dma_start3A_16] : memref<100096x8xf32, #tpu.memory_space<hbm>> -> memref<6256x8xf32, #tpu.memory_space<hbm>>
      tpu.enqueue_dma source(%dma_start3A_17 : memref<6256x8xf32, #tpu.memory_space<hbm>>) target(%dma_start3A_15 : memref<6256x8xf32, #tpu.memory_space<vmem_shared>>) target_semaphore(%run_scoped3A : memref<!tpu.dma_semaphore, #tpu.memory_space<semaphore_mem>>)
      %dma_wait3A = arith.constant 0 : i32
      %dma_wait3A_18 = tpu.memref_slice %arg13[%mul3A_4, %dma_wait3A] : memref<100096x8xf32, #tpu.memory_space<vmem_shared>> -> memref<6256x8xf32, #tpu.memory_space<vmem_shared>>
      %dma_wait3A_19 = arith.constant 0 : i32
      %dma_wait3A_20 = tpu.memref_slice %arg5[%mul3A_2, %dma_wait3A_19] : memref<100096x8xf32, #tpu.memory_space<hbm>> -> memref<6256x8xf32, #tpu.memory_space<hbm>>
      tpu.wait_dma2 semaphore(%run_scoped3A : memref<!tpu.dma_semaphore, #tpu.memory_space<semaphore_mem>>) src(%dma_wait3A_20 : memref<6256x8xf32, #tpu.memory_space<hbm>>) dst(%dma_wait3A_18 : memref<6256x8xf32, #tpu.memory_space<vmem_shared>>)
      tpu.yield
    }) : () -> ()
    %barrier3A = arith.constant 0 : index
    tpu.barrier barrier_id(%barrier3A)
    %scan3A = arith.constant 0 : i32
    %scan3A_5 = arith.constant 0 : i32
    %scan3A_6 = arith.constant 13 : i32
    %scan3A_7 = arith.addi %scan3A_5, %scan3A_6 : i32
    %scan3A_8 = arith.constant 1 : i32
    scf.for %scan3A_15 = %scan3A_5 to %scan3A_7 step %scan3A_8  : i32 {
      %mul3A_16 = arith.constant 32 : i32
      %mul3A_17 = arith.muli %scan3A_15, %mul3A_16 : i32
      %multiple_of3A = tpu.assume_multiple %mul3A_17, 32 : i32
      "tpu.region"() ({
        %run_scoped3A_81 = tpu.sem_alloc : memref<!tpu.dma_semaphore, #tpu.memory_space<semaphore_mem>>
        %dma_start3A_82 = arith.constant 0 : i32
        %dma_start3A_83 = tpu.memref_slice %arg3[%add3A, %multiple_of3A, %dma_start3A_82] : memref<32x416x128xi32, #tpu.memory_space<hbm>> -> memref<1x32x128xi32, #tpu.memory_space<hbm>>
        %dma_start3A_84 = tpu.memref_squeeze %dma_start3A_83 : memref<1x32x128xi32, #tpu.memory_space<hbm>> -> memref<32x128xi32, #tpu.memory_space<hbm>>
        %dma_start3A_85 = arith.constant 0 : i32
        %dma_start3A_86 = tpu.memref_slice %arg3[%add3A, %multiple_of3A, %dma_start3A_85] : memref<32x416x128xi32, #tpu.memory_space<hbm>> -> memref<1x32x128xi32, #tpu.memory_space<hbm>>
        %dma_start3A_87 = tpu.memref_squeeze %dma_start3A_86 : memref<1x32x128xi32, #tpu.memory_space<hbm>> -> memref<32x128xi32, #tpu.memory_space<hbm>>
        tpu.enqueue_dma source(%dma_start3A_87 : memref<32x128xi32, #tpu.memory_space<hbm>>) target(%arg7 : memref<32x128xi32, #tpu.memory_space<vmem>>) target_semaphore(%run_scoped3A_81 : memref<!tpu.dma_semaphore, #tpu.memory_space<semaphore_mem>>)
        %dma_wait3A_88 = arith.constant 0 : i32
        %dma_wait3A_89 = tpu.memref_slice %arg3[%add3A, %multiple_of3A, %dma_wait3A_88] : memref<32x416x128xi32, #tpu.memory_space<hbm>> -> memref<1x32x128xi32, #tpu.memory_space<hbm>>
        %dma_wait3A_90 = tpu.memref_squeeze %dma_wait3A_89 : memref<1x32x128xi32, #tpu.memory_space<hbm>> -> memref<32x128xi32, #tpu.memory_space<hbm>>
        %dma_wait3A_91 = arith.constant 0 : i32
        %dma_wait3A_92 = tpu.memref_slice %arg3[%add3A, %multiple_of3A, %dma_wait3A_91] : memref<32x416x128xi32, #tpu.memory_space<hbm>> -> memref<1x32x128xi32, #tpu.memory_space<hbm>>
        %dma_wait3A_93 = tpu.memref_squeeze %dma_wait3A_92 : memref<1x32x128xi32, #tpu.memory_space<hbm>> -> memref<32x128xi32, #tpu.memory_space<hbm>>
        tpu.wait_dma2 semaphore(%run_scoped3A_81 : memref<!tpu.dma_semaphore, #tpu.memory_space<semaphore_mem>>) src(%dma_wait3A_93 : memref<32x128xi32, #tpu.memory_space<hbm>>) dst(%arg7 : memref<32x128xi32, #tpu.memory_space<vmem>>)
        tpu.yield
      }) : () -> ()
      "tpu.region"() ({
        %run_scoped3A_81 = tpu.sem_alloc : memref<!tpu.dma_semaphore, #tpu.memory_space<semaphore_mem>>
        %dma_start3A_82 = arith.constant 0 : i32
        %dma_start3A_83 = tpu.memref_slice %arg4[%add3A, %multiple_of3A, %dma_start3A_82] : memref<32x416x128xi32, #tpu.memory_space<hbm>> -> memref<1x32x128xi32, #tpu.memory_space<hbm>>
        %dma_start3A_84 = tpu.memref_squeeze %dma_start3A_83 : memref<1x32x128xi32, #tpu.memory_space<hbm>> -> memref<32x128xi32, #tpu.memory_space<hbm>>
        %dma_start3A_85 = arith.constant 0 : i32
        %dma_start3A_86 = tpu.memref_slice %arg4[%add3A, %multiple_of3A, %dma_start3A_85] : memref<32x416x128xi32, #tpu.memory_space<hbm>> -> memref<1x32x128xi32, #tpu.memory_space<hbm>>
        %dma_start3A_87 = tpu.memref_squeeze %dma_start3A_86 : memref<1x32x128xi32, #tpu.memory_space<hbm>> -> memref<32x128xi32, #tpu.memory_space<hbm>>
        tpu.enqueue_dma source(%dma_start3A_87 : memref<32x128xi32, #tpu.memory_space<hbm>>) target(%arg8 : memref<32x128xi32, #tpu.memory_space<vmem>>) target_semaphore(%run_scoped3A_81 : memref<!tpu.dma_semaphore, #tpu.memory_space<semaphore_mem>>)
        %dma_wait3A_88 = arith.constant 0 : i32
        %dma_wait3A_89 = tpu.memref_slice %arg4[%add3A, %multiple_of3A, %dma_wait3A_88] : memref<32x416x128xi32, #tpu.memory_space<hbm>> -> memref<1x32x128xi32, #tpu.memory_space<hbm>>
        %dma_wait3A_90 = tpu.memref_squeeze %dma_wait3A_89 : memref<1x32x128xi32, #tpu.memory_space<hbm>> -> memref<32x128xi32, #tpu.memory_space<hbm>>
        %dma_wait3A_91 = arith.constant 0 : i32
        %dma_wait3A_92 = tpu.memref_slice %arg4[%add3A, %multiple_of3A, %dma_wait3A_91] : memref<32x416x128xi32, #tpu.memory_space<hbm>> -> memref<1x32x128xi32, #tpu.memory_space<hbm>>
        %dma_wait3A_93 = tpu.memref_squeeze %dma_wait3A_92 : memref<1x32x128xi32, #tpu.memory_space<hbm>> -> memref<32x128xi32, #tpu.memory_space<hbm>>
        tpu.wait_dma2 semaphore(%run_scoped3A_81 : memref<!tpu.dma_semaphore, #tpu.memory_space<semaphore_mem>>) src(%dma_wait3A_93 : memref<32x128xi32, #tpu.memory_space<hbm>>) dst(%arg8 : memref<32x128xi32, #tpu.memory_space<vmem>>)
        tpu.yield
      }) : () -> ()
      %dma_start3A = arith.constant 0 : i32
      %dma_start3A_18 = arith.constant 0 : i32
      %dma_start3A_19 = tpu.memref_slice %arg7[%dma_start3A, %dma_start3A_18] : memref<32x128xi32, #tpu.memory_space<vmem>> -> memref<1x128xi32, #tpu.memory_space<vmem>>
      %dma_start3A_20 = tpu.memref_squeeze %dma_start3A_19 : memref<1x128xi32, #tpu.memory_space<vmem>> -> memref<128xi32, #tpu.memory_space<vmem>>
      %dma_start3A_21 = arith.constant 0 : i32
      %dma_start3A_22 = arith.constant 0 : i32
      %dma_start3A_23 = tpu.memref_slice %arg2[%dma_start3A_21, %dma_start3A_22] : memref<100096x8xf32, #tpu.memory_space<hbm>> -> memref<100096x8xf32, #tpu.memory_space<hbm>>
      tpu.enqueue_indirect_dma source(%dma_start3A_23 : memref<100096x8xf32, #tpu.memory_space<hbm>>) target(%arg9 : memref<128x8xf32, #tpu.memory_space<vmem>>) offsets(%dma_start3A_20 : memref<128xi32, #tpu.memory_space<vmem>>) semaphore(%arg14 : memref<!tpu.dma_semaphore, #tpu.memory_space<semaphore_mem>>)
      %dma_start3A_24 = arith.constant 1 : i32
      %dma_start3A_25 = arith.constant 0 : i32
      %dma_start3A_26 = tpu.memref_slice %arg7[%dma_start3A_24, %dma_start3A_25] : memref<32x128xi32, #tpu.memory_space<vmem>> -> memref<1x128xi32, #tpu.memory_space<vmem>>
      %dma_start3A_27 = tpu.memref_squeeze %dma_start3A_26 : memref<1x128xi32, #tpu.memory_space<vmem>> -> memref<128xi32, #tpu.memory_space<vmem>>
      %dma_start3A_28 = arith.constant 0 : i32
      %dma_start3A_29 = arith.constant 0 : i32
      %dma_start3A_30 = tpu.memref_slice %arg2[%dma_start3A_28, %dma_start3A_29] : memref<100096x8xf32, #tpu.memory_space<hbm>> -> memref<100096x8xf32, #tpu.memory_space<hbm>>
      tpu.enqueue_indirect_dma source(%dma_start3A_30 : memref<100096x8xf32, #tpu.memory_space<hbm>>) target(%arg10 : memref<128x8xf32, #tpu.memory_space<vmem>>) offsets(%dma_start3A_27 : memref<128xi32, #tpu.memory_space<vmem>>) semaphore(%arg15 : memref<!tpu.dma_semaphore, #tpu.memory_space<semaphore_mem>>)
      %dma_start3A_31 = arith.constant 2 : i32
      %dma_start3A_32 = arith.constant 0 : i32
      %dma_start3A_33 = tpu.memref_slice %arg7[%dma_start3A_31, %dma_start3A_32] : memref<32x128xi32, #tpu.memory_space<vmem>> -> memref<1x128xi32, #tpu.memory_space<vmem>>
      %dma_start3A_34 = tpu.memref_squeeze %dma_start3A_33 : memref<1x128xi32, #tpu.memory_space<vmem>> -> memref<128xi32, #tpu.memory_space<vmem>>
      %dma_start3A_35 = arith.constant 0 : i32
      %dma_start3A_36 = arith.constant 0 : i32
      %dma_start3A_37 = tpu.memref_slice %arg2[%dma_start3A_35, %dma_start3A_36] : memref<100096x8xf32, #tpu.memory_space<hbm>> -> memref<100096x8xf32, #tpu.memory_space<hbm>>
      tpu.enqueue_indirect_dma source(%dma_start3A_37 : memref<100096x8xf32, #tpu.memory_space<hbm>>) target(%arg11 : memref<128x8xf32, #tpu.memory_space<vmem>>) offsets(%dma_start3A_34 : memref<128xi32, #tpu.memory_space<vmem>>) semaphore(%arg16 : memref<!tpu.dma_semaphore, #tpu.memory_space<semaphore_mem>>)
      %dma_start3A_38 = arith.constant 3 : i32
      %dma_start3A_39 = arith.constant 0 : i32
      %dma_start3A_40 = tpu.memref_slice %arg7[%dma_start3A_38, %dma_start3A_39] : memref<32x128xi32, #tpu.memory_space<vmem>> -> memref<1x128xi32, #tpu.memory_space<vmem>>
      %dma_start3A_41 = tpu.memref_squeeze %dma_start3A_40 : memref<1x128xi32, #tpu.memory_space<vmem>> -> memref<128xi32, #tpu.memory_space<vmem>>
      %dma_start3A_42 = arith.constant 0 : i32
      %dma_start3A_43 = arith.constant 0 : i32
      %dma_start3A_44 = tpu.memref_slice %arg2[%dma_start3A_42, %dma_start3A_43] : memref<100096x8xf32, #tpu.memory_space<hbm>> -> memref<100096x8xf32, #tpu.memory_space<hbm>>
      tpu.enqueue_indirect_dma source(%dma_start3A_44 : memref<100096x8xf32, #tpu.memory_space<hbm>>) target(%arg12 : memref<128x8xf32, #tpu.memory_space<vmem>>) offsets(%dma_start3A_41 : memref<128xi32, #tpu.memory_space<vmem>>) semaphore(%arg17 : memref<!tpu.dma_semaphore, #tpu.memory_space<semaphore_mem>>)
      %scan3A_45 = arith.constant 0 : i32
      %scan3A_46 = arith.constant 0 : i32
      %scan3A_47 = arith.constant 7 : i32
      %scan3A_48 = arith.addi %scan3A_46, %scan3A_47 : i32
      %scan3A_49 = arith.constant 1 : i32
      scf.for %scan3A_81 = %scan3A_46 to %scan3A_48 step %scan3A_49  : i32 {
        %mul3A_82 = arith.constant 4 : i32
        %mul3A_83 = arith.muli %scan3A_81, %mul3A_82 : i32
        %add3A_84 = arith.constant 0 : i32
        %add3A_85 = arith.addi %mul3A_83, %add3A_84 : i32
        %dma_wait3A_86 = arith.constant 0 : i32
        %dma_wait3A_87 = tpu.memref_slice %arg7[%add3A_85, %dma_wait3A_86] : memref<32x128xi32, #tpu.memory_space<vmem>> -> memref<1x128xi32, #tpu.memory_space<vmem>>
        %dma_wait3A_88 = tpu.memref_squeeze %dma_wait3A_87 : memref<1x128xi32, #tpu.memory_space<vmem>> -> memref<128xi32, #tpu.memory_space<vmem>>
        %dma_wait3A_89 = arith.constant 0 : i32
        %dma_wait3A_90 = arith.constant 0 : i32
        %dma_wait3A_91 = tpu.memref_slice %arg2[%dma_wait3A_89, %dma_wait3A_90] : memref<100096x8xf32, #tpu.memory_space<hbm>> -> memref<100096x8xf32, #tpu.memory_space<hbm>>
        tpu.wait_indirect_dma semaphore(%arg14 : memref<!tpu.dma_semaphore, #tpu.memory_space<semaphore_mem>>) src(%dma_wait3A_91 : memref<100096x8xf32, #tpu.memory_space<hbm>>) dst(%arg9 : memref<128x8xf32, #tpu.memory_space<vmem>>)
        "tpu.region"() ({
          %run_scoped3A_148 = tpu.sem_alloc : memref<!tpu.dma_semaphore, #tpu.memory_space<semaphore_mem>>
          %dma_start3A_149 = arith.constant 0 : i32
          %dma_start3A_150 = tpu.memref_slice %arg8[%add3A_85, %dma_start3A_149] : memref<32x128xi32, #tpu.memory_space<vmem>> -> memref<1x128xi32, #tpu.memory_space<vmem>>
          %dma_start3A_151 = tpu.memref_squeeze %dma_start3A_150 : memref<1x128xi32, #tpu.memory_space<vmem>> -> memref<128xi32, #tpu.memory_space<vmem>>
          %dma_start3A_152 = arith.constant 0 : i32
          %dma_start3A_153 = arith.constant 0 : i32
          %dma_start3A_154 = tpu.memref_slice %arg13[%dma_start3A_152, %dma_start3A_153] : memref<100096x8xf32, #tpu.memory_space<vmem_shared>> -> memref<100096x8xf32, #tpu.memory_space<vmem_shared>>
          tpu.enqueue_indirect_dma source(%arg9 : memref<128x8xf32, #tpu.memory_space<vmem>>) target(%dma_start3A_154 : memref<100096x8xf32, #tpu.memory_space<vmem_shared>>) offsets(%dma_start3A_151 : memref<128xi32, #tpu.memory_space<vmem>>) semaphore(%run_scoped3A_148 : memref<!tpu.dma_semaphore, #tpu.memory_space<semaphore_mem>>) {add = true}
          %dma_wait3A_155 = arith.constant 0 : i32
          %dma_wait3A_156 = tpu.memref_slice %arg8[%add3A_85, %dma_wait3A_155] : memref<32x128xi32, #tpu.memory_space<vmem>> -> memref<1x128xi32, #tpu.memory_space<vmem>>
          %dma_wait3A_157 = tpu.memref_squeeze %dma_wait3A_156 : memref<1x128xi32, #tpu.memory_space<vmem>> -> memref<128xi32, #tpu.memory_space<vmem>>
          %dma_wait3A_158 = arith.constant 0 : i32
          %dma_wait3A_159 = arith.constant 0 : i32
          %dma_wait3A_160 = tpu.memref_slice %arg13[%dma_wait3A_158, %dma_wait3A_159] : memref<100096x8xf32, #tpu.memory_space<vmem_shared>> -> memref<100096x8xf32, #tpu.memory_space<vmem_shared>>
          tpu.wait_indirect_dma semaphore(%run_scoped3A_148 : memref<!tpu.dma_semaphore, #tpu.memory_space<semaphore_mem>>) src(%arg9 : memref<128x8xf32, #tpu.memory_space<vmem>>) dst(%dma_wait3A_160 : memref<100096x8xf32, #tpu.memory_space<vmem_shared>>)
          tpu.yield
        }) : () -> ()
        %add3A_92 = arith.constant 4 : i32
        %add3A_93 = arith.addi %add3A_85, %add3A_92 : i32
        %dma_start3A_94 = arith.constant 0 : i32
        %dma_start3A_95 = tpu.memref_slice %arg7[%add3A_93, %dma_start3A_94] : memref<32x128xi32, #tpu.memory_space<vmem>> -> memref<1x128xi32, #tpu.memory_space<vmem>>
        %dma_start3A_96 = tpu.memref_squeeze %dma_start3A_95 : memref<1x128xi32, #tpu.memory_space<vmem>> -> memref<128xi32, #tpu.memory_space<vmem>>
        %dma_start3A_97 = arith.constant 0 : i32
        %dma_start3A_98 = arith.constant 0 : i32
        %dma_start3A_99 = tpu.memref_slice %arg2[%dma_start3A_97, %dma_start3A_98] : memref<100096x8xf32, #tpu.memory_space<hbm>> -> memref<100096x8xf32, #tpu.memory_space<hbm>>
        tpu.enqueue_indirect_dma source(%dma_start3A_99 : memref<100096x8xf32, #tpu.memory_space<hbm>>) target(%arg9 : memref<128x8xf32, #tpu.memory_space<vmem>>) offsets(%dma_start3A_96 : memref<128xi32, #tpu.memory_space<vmem>>) semaphore(%arg14 : memref<!tpu.dma_semaphore, #tpu.memory_space<semaphore_mem>>)
        %add3A_100 = arith.constant 1 : i32
        %add3A_101 = arith.addi %mul3A_83, %add3A_100 : i32
        %dma_wait3A_102 = arith.constant 0 : i32
        %dma_wait3A_103 = tpu.memref_slice %arg7[%add3A_101, %dma_wait3A_102] : memref<32x128xi32, #tpu.memory_space<vmem>> -> memref<1x128xi32, #tpu.memory_space<vmem>>
        %dma_wait3A_104 = tpu.memref_squeeze %dma_wait3A_103 : memref<1x128xi32, #tpu.memory_space<vmem>> -> memref<128xi32, #tpu.memory_space<vmem>>
        %dma_wait3A_105 = arith.constant 0 : i32
        %dma_wait3A_106 = arith.constant 0 : i32
        %dma_wait3A_107 = tpu.memref_slice %arg2[%dma_wait3A_105, %dma_wait3A_106] : memref<100096x8xf32, #tpu.memory_space<hbm>> -> memref<100096x8xf32, #tpu.memory_space<hbm>>
        tpu.wait_indirect_dma semaphore(%arg15 : memref<!tpu.dma_semaphore, #tpu.memory_space<semaphore_mem>>) src(%dma_wait3A_107 : memref<100096x8xf32, #tpu.memory_space<hbm>>) dst(%arg10 : memref<128x8xf32, #tpu.memory_space<vmem>>)
        "tpu.region"() ({
          %run_scoped3A_148 = tpu.sem_alloc : memref<!tpu.dma_semaphore, #tpu.memory_space<semaphore_mem>>
          %dma_start3A_149 = arith.constant 0 : i32
          %dma_start3A_150 = tpu.memref_slice %arg8[%add3A_101, %dma_start3A_149] : memref<32x128xi32, #tpu.memory_space<vmem>> -> memref<1x128xi32, #tpu.memory_space<vmem>>
          %dma_start3A_151 = tpu.memref_squeeze %dma_start3A_150 : memref<1x128xi32, #tpu.memory_space<vmem>> -> memref<128xi32, #tpu.memory_space<vmem>>
          %dma_start3A_152 = arith.constant 0 : i32
          %dma_start3A_153 = arith.constant 0 : i32
          %dma_start3A_154 = tpu.memref_slice %arg13[%dma_start3A_152, %dma_start3A_153] : memref<100096x8xf32, #tpu.memory_space<vmem_shared>> -> memref<100096x8xf32, #tpu.memory_space<vmem_shared>>
          tpu.enqueue_indirect_dma source(%arg10 : memref<128x8xf32, #tpu.memory_space<vmem>>) target(%dma_start3A_154 : memref<100096x8xf32, #tpu.memory_space<vmem_shared>>) offsets(%dma_start3A_151 : memref<128xi32, #tpu.memory_space<vmem>>) semaphore(%run_scoped3A_148 : memref<!tpu.dma_semaphore, #tpu.memory_space<semaphore_mem>>) {add = true}
          %dma_wait3A_155 = arith.constant 0 : i32
          %dma_wait3A_156 = tpu.memref_slice %arg8[%add3A_101, %dma_wait3A_155] : memref<32x128xi32, #tpu.memory_space<vmem>> -> memref<1x128xi32, #tpu.memory_space<vmem>>
          %dma_wait3A_157 = tpu.memref_squeeze %dma_wait3A_156 : memref<1x128xi32, #tpu.memory_space<vmem>> -> memref<128xi32, #tpu.memory_space<vmem>>
          %dma_wait3A_158 = arith.constant 0 : i32
          %dma_wait3A_159 = arith.constant 0 : i32
          %dma_wait3A_160 = tpu.memref_slice %arg13[%dma_wait3A_158, %dma_wait3A_159] : memref<100096x8xf32, #tpu.memory_space<vmem_shared>> -> memref<100096x8xf32, #tpu.memory_space<vmem_shared>>
          tpu.wait_indirect_dma semaphore(%run_scoped3A_148 : memref<!tpu.dma_semaphore, #tpu.memory_space<semaphore_mem>>) src(%arg10 : memref<128x8xf32, #tpu.memory_space<vmem>>) dst(%dma_wait3A_160 : memref<100096x8xf32, #tpu.memory_space<vmem_shared>>)
          tpu.yield
        }) : () -> ()
        %add3A_108 = arith.constant 4 : i32
        %add3A_109 = arith.addi %add3A_101, %add3A_108 : i32
        %dma_start3A_110 = arith.constant 0 : i32
        %dma_start3A_111 = tpu.memref_slice %arg7[%add3A_109, %dma_start3A_110] : memref<32x128xi32, #tpu.memory_space<vmem>> -> memref<1x128xi32, #tpu.memory_space<vmem>>
        %dma_start3A_112 = tpu.memref_squeeze %dma_start3A_111 : memref<1x128xi32, #tpu.memory_space<vmem>> -> memref<128xi32, #tpu.memory_space<vmem>>
        %dma_start3A_113 = arith.constant 0 : i32
        %dma_start3A_114 = arith.constant 0 : i32
        %dma_start3A_115 = tpu.memref_slice %arg2[%dma_start3A_113, %dma_start3A_114] : memref<100096x8xf32, #tpu.memory_space<hbm>> -> memref<100096x8xf32, #tpu.memory_space<hbm>>
        tpu.enqueue_indirect_dma source(%dma_start3A_115 : memref<100096x8xf32, #tpu.memory_space<hbm>>) target(%arg10 : memref<128x8xf32, #tpu.memory_space<vmem>>) offsets(%dma_start3A_112 : memref<128xi32, #tpu.memory_space<vmem>>) semaphore(%arg15 : memref<!tpu.dma_semaphore, #tpu.memory_space<semaphore_mem>>)
        %add3A_116 = arith.constant 2 : i32
        %add3A_117 = arith.addi %mul3A_83, %add3A_116 : i32
        %dma_wait3A_118 = arith.constant 0 : i32
        %dma_wait3A_119 = tpu.memref_slice %arg7[%add3A_117, %dma_wait3A_118] : memref<32x128xi32, #tpu.memory_space<vmem>> -> memref<1x128xi32, #tpu.memory_space<vmem>>
        %dma_wait3A_120 = tpu.memref_squeeze %dma_wait3A_119 : memref<1x128xi32, #tpu.memory_space<vmem>> -> memref<128xi32, #tpu.memory_space<vmem>>
        %dma_wait3A_121 = arith.constant 0 : i32
        %dma_wait3A_122 = arith.constant 0 : i32
        %dma_wait3A_123 = tpu.memref_slice %arg2[%dma_wait3A_121, %dma_wait3A_122] : memref<100096x8xf32, #tpu.memory_space<hbm>> -> memref<100096x8xf32, #tpu.memory_space<hbm>>
        tpu.wait_indirect_dma semaphore(%arg16 : memref<!tpu.dma_semaphore, #tpu.memory_space<semaphore_mem>>) src(%dma_wait3A_123 : memref<100096x8xf32, #tpu.memory_space<hbm>>) dst(%arg11 : memref<128x8xf32, #tpu.memory_space<vmem>>)
        "tpu.region"() ({
          %run_scoped3A_148 = tpu.sem_alloc : memref<!tpu.dma_semaphore, #tpu.memory_space<semaphore_mem>>
          %dma_start3A_149 = arith.constant 0 : i32
          %dma_start3A_150 = tpu.memref_slice %arg8[%add3A_117, %dma_start3A_149] : memref<32x128xi32, #tpu.memory_space<vmem>> -> memref<1x128xi32, #tpu.memory_space<vmem>>
          %dma_start3A_151 = tpu.memref_squeeze %dma_start3A_150 : memref<1x128xi32, #tpu.memory_space<vmem>> -> memref<128xi32, #tpu.memory_space<vmem>>
          %dma_start3A_152 = arith.constant 0 : i32
          %dma_start3A_153 = arith.constant 0 : i32
          %dma_start3A_154 = tpu.memref_slice %arg13[%dma_start3A_152, %dma_start3A_153] : memref<100096x8xf32, #tpu.memory_space<vmem_shared>> -> memref<100096x8xf32, #tpu.memory_space<vmem_shared>>
          tpu.enqueue_indirect_dma source(%arg11 : memref<128x8xf32, #tpu.memory_space<vmem>>) target(%dma_start3A_154 : memref<100096x8xf32, #tpu.memory_space<vmem_shared>>) offsets(%dma_start3A_151 : memref<128xi32, #tpu.memory_space<vmem>>) semaphore(%run_scoped3A_148 : memref<!tpu.dma_semaphore, #tpu.memory_space<semaphore_mem>>) {add = true}
          %dma_wait3A_155 = arith.constant 0 : i32
          %dma_wait3A_156 = tpu.memref_slice %arg8[%add3A_117, %dma_wait3A_155] : memref<32x128xi32, #tpu.memory_space<vmem>> -> memref<1x128xi32, #tpu.memory_space<vmem>>
          %dma_wait3A_157 = tpu.memref_squeeze %dma_wait3A_156 : memref<1x128xi32, #tpu.memory_space<vmem>> -> memref<128xi32, #tpu.memory_space<vmem>>
          %dma_wait3A_158 = arith.constant 0 : i32
          %dma_wait3A_159 = arith.constant 0 : i32
          %dma_wait3A_160 = tpu.memref_slice %arg13[%dma_wait3A_158, %dma_wait3A_159] : memref<100096x8xf32, #tpu.memory_space<vmem_shared>> -> memref<100096x8xf32, #tpu.memory_space<vmem_shared>>
          tpu.wait_indirect_dma semaphore(%run_scoped3A_148 : memref<!tpu.dma_semaphore, #tpu.memory_space<semaphore_mem>>) src(%arg11 : memref<128x8xf32, #tpu.memory_space<vmem>>) dst(%dma_wait3A_160 : memref<100096x8xf32, #tpu.memory_space<vmem_shared>>)
          tpu.yield
        }) : () -> ()
        %add3A_124 = arith.constant 4 : i32
        %add3A_125 = arith.addi %add3A_117, %add3A_124 : i32
        %dma_start3A_126 = arith.constant 0 : i32
        %dma_start3A_127 = tpu.memref_slice %arg7[%add3A_125, %dma_start3A_126] : memref<32x128xi32, #tpu.memory_space<vmem>> -> memref<1x128xi32, #tpu.memory_space<vmem>>
        %dma_start3A_128 = tpu.memref_squeeze %dma_start3A_127 : memref<1x128xi32, #tpu.memory_space<vmem>> -> memref<128xi32, #tpu.memory_space<vmem>>
        %dma_start3A_129 = arith.constant 0 : i32
        %dma_start3A_130 = arith.constant 0 : i32
        %dma_start3A_131 = tpu.memref_slice %arg2[%dma_start3A_129, %dma_start3A_130] : memref<100096x8xf32, #tpu.memory_space<hbm>> -> memref<100096x8xf32, #tpu.memory_space<hbm>>
        tpu.enqueue_indirect_dma source(%dma_start3A_131 : memref<100096x8xf32, #tpu.memory_space<hbm>>) target(%arg11 : memref<128x8xf32, #tpu.memory_space<vmem>>) offsets(%dma_start3A_128 : memref<128xi32, #tpu.memory_space<vmem>>) semaphore(%arg16 : memref<!tpu.dma_semaphore, #tpu.memory_space<semaphore_mem>>)
        %add3A_132 = arith.constant 3 : i32
        %add3A_133 = arith.addi %mul3A_83, %add3A_132 : i32
        %dma_wait3A_134 = arith.constant 0 : i32
        %dma_wait3A_135 = tpu.memref_slice %arg7[%add3A_133, %dma_wait3A_134] : memref<32x128xi32, #tpu.memory_space<vmem>> -> memref<1x128xi32, #tpu.memory_space<vmem>>
        %dma_wait3A_136 = tpu.memref_squeeze %dma_wait3A_135 : memref<1x128xi32, #tpu.memory_space<vmem>> -> memref<128xi32, #tpu.memory_space<vmem>>
        %dma_wait3A_137 = arith.constant 0 : i32
        %dma_wait3A_138 = arith.constant 0 : i32
        %dma_wait3A_139 = tpu.memref_slice %arg2[%dma_wait3A_137, %dma_wait3A_138] : memref<100096x8xf32, #tpu.memory_space<hbm>> -> memref<100096x8xf32, #tpu.memory_space<hbm>>
        tpu.wait_indirect_dma semaphore(%arg17 : memref<!tpu.dma_semaphore, #tpu.memory_space<semaphore_mem>>) src(%dma_wait3A_139 : memref<100096x8xf32, #tpu.memory_space<hbm>>) dst(%arg12 : memref<128x8xf32, #tpu.memory_space<vmem>>)
        "tpu.region"() ({
          %run_scoped3A_148 = tpu.sem_alloc : memref<!tpu.dma_semaphore, #tpu.memory_space<semaphore_mem>>
          %dma_start3A_149 = arith.constant 0 : i32
          %dma_start3A_150 = tpu.memref_slice %arg8[%add3A_133, %dma_start3A_149] : memref<32x128xi32, #tpu.memory_space<vmem>> -> memref<1x128xi32, #tpu.memory_space<vmem>>
          %dma_start3A_151 = tpu.memref_squeeze %dma_start3A_150 : memref<1x128xi32, #tpu.memory_space<vmem>> -> memref<128xi32, #tpu.memory_space<vmem>>
          %dma_start3A_152 = arith.constant 0 : i32
          %dma_start3A_153 = arith.constant 0 : i32
          %dma_start3A_154 = tpu.memref_slice %arg13[%dma_start3A_152, %dma_start3A_153] : memref<100096x8xf32, #tpu.memory_space<vmem_shared>> -> memref<100096x8xf32, #tpu.memory_space<vmem_shared>>
          tpu.enqueue_indirect_dma source(%arg12 : memref<128x8xf32, #tpu.memory_space<vmem>>) target(%dma_start3A_154 : memref<100096x8xf32, #tpu.memory_space<vmem_shared>>) offsets(%dma_start3A_151 : memref<128xi32, #tpu.memory_space<vmem>>) semaphore(%run_scoped3A_148 : memref<!tpu.dma_semaphore, #tpu.memory_space<semaphore_mem>>) {add = true}
          %dma_wait3A_155 = arith.constant 0 : i32
          %dma_wait3A_156 = tpu.memref_slice %arg8[%add3A_133, %dma_wait3A_155] : memref<32x128xi32, #tpu.memory_space<vmem>> -> memref<1x128xi32, #tpu.memory_space<vmem>>
          %dma_wait3A_157 = tpu.memref_squeeze %dma_wait3A_156 : memref<1x128xi32, #tpu.memory_space<vmem>> -> memref<128xi32, #tpu.memory_space<vmem>>
          %dma_wait3A_158 = arith.constant 0 : i32
          %dma_wait3A_159 = arith.constant 0 : i32
          %dma_wait3A_160 = tpu.memref_slice %arg13[%dma_wait3A_158, %dma_wait3A_159] : memref<100096x8xf32, #tpu.memory_space<vmem_shared>> -> memref<100096x8xf32, #tpu.memory_space<vmem_shared>>
          tpu.wait_indirect_dma semaphore(%run_scoped3A_148 : memref<!tpu.dma_semaphore, #tpu.memory_space<semaphore_mem>>) src(%arg12 : memref<128x8xf32, #tpu.memory_space<vmem>>) dst(%dma_wait3A_160 : memref<100096x8xf32, #tpu.memory_space<vmem_shared>>)
          tpu.yield
        }) : () -> ()
        %add3A_140 = arith.constant 4 : i32
        %add3A_141 = arith.addi %add3A_133, %add3A_140 : i32
        %dma_start3A_142 = arith.constant 0 : i32
        %dma_start3A_143 = tpu.memref_slice %arg7[%add3A_141, %dma_start3A_142] : memref<32x128xi32, #tpu.memory_space<vmem>> -> memref<1x128xi32, #tpu.memory_space<vmem>>
        %dma_start3A_144 = tpu.memref_squeeze %dma_start3A_143 : memref<1x128xi32, #tpu.memory_space<vmem>> -> memref<128xi32, #tpu.memory_space<vmem>>
        %dma_start3A_145 = arith.constant 0 : i32
        %dma_start3A_146 = arith.constant 0 : i32
        %dma_start3A_147 = tpu.memref_slice %arg2[%dma_start3A_145, %dma_start3A_146] : memref<100096x8xf32, #tpu.memory_space<hbm>> -> memref<100096x8xf32, #tpu.memory_space<hbm>>
        tpu.enqueue_indirect_dma source(%dma_start3A_147 : memref<100096x8xf32, #tpu.memory_space<hbm>>) target(%arg12 : memref<128x8xf32, #tpu.memory_space<vmem>>) offsets(%dma_start3A_144 : memref<128xi32, #tpu.memory_space<vmem>>) semaphore(%arg17 : memref<!tpu.dma_semaphore, #tpu.memory_space<semaphore_mem>>)
      }
      %scan3A_50 = arith.constant 7 : i32
      %dma_wait3A = arith.constant 28 : i32
      %dma_wait3A_51 = arith.constant 0 : i32
      %dma_wait3A_52 = tpu.memref_slice %arg7[%dma_wait3A, %dma_wait3A_51] : memref<32x128xi32, #tpu.memory_space<vmem>> -> memref<1x128xi32, #tpu.memory_space<vmem>>
      %dma_wait3A_53 = tpu.memref_squeeze %dma_wait3A_52 : memref<1x128xi32, #tpu.memory_space<vmem>> -> memref<128xi32, #tpu.memory_space<vmem>>
      %dma_wait3A_54 = arith.constant 0 : i32
      %dma_wait3A_55 = arith.constant 0 : i32
      %dma_wait3A_56 = tpu.memref_slice %arg2[%dma_wait3A_54, %dma_wait3A_55] : memref<100096x8xf32, #tpu.memory_space<hbm>> -> memref<100096x8xf32, #tpu.memory_space<hbm>>
      tpu.wait_indirect_dma semaphore(%arg14 : memref<!tpu.dma_semaphore, #tpu.memory_space<semaphore_mem>>) src(%dma_wait3A_56 : memref<100096x8xf32, #tpu.memory_space<hbm>>) dst(%arg9 : memref<128x8xf32, #tpu.memory_space<vmem>>)
      %run_scoped3A = arith.constant 28 : i32
      "tpu.region"() ({
        %run_scoped3A_81 = tpu.sem_alloc : memref<!tpu.dma_semaphore, #tpu.memory_space<semaphore_mem>>
        %dma_start3A_82 = arith.constant 0 : i32
        %dma_start3A_83 = tpu.memref_slice %arg8[%run_scoped3A, %dma_start3A_82] : memref<32x128xi32, #tpu.memory_space<vmem>> -> memref<1x128xi32, #tpu.memory_space<vmem>>
        %dma_start3A_84 = tpu.memref_squeeze %dma_start3A_83 : memref<1x128xi32, #tpu.memory_space<vmem>> -> memref<128xi32, #tpu.memory_space<vmem>>
        %dma_start3A_85 = arith.constant 0 : i32
        %dma_start3A_86 = arith.constant 0 : i32
        %dma_start3A_87 = tpu.memref_slice %arg13[%dma_start3A_85, %dma_start3A_86] : memref<100096x8xf32, #tpu.memory_space<vmem_shared>> -> memref<100096x8xf32, #tpu.memory_space<vmem_shared>>
        tpu.enqueue_indirect_dma source(%arg9 : memref<128x8xf32, #tpu.memory_space<vmem>>) target(%dma_start3A_87 : memref<100096x8xf32, #tpu.memory_space<vmem_shared>>) offsets(%dma_start3A_84 : memref<128xi32, #tpu.memory_space<vmem>>) semaphore(%run_scoped3A_81 : memref<!tpu.dma_semaphore, #tpu.memory_space<semaphore_mem>>) {add = true}
        %dma_wait3A_88 = arith.constant 0 : i32
        %dma_wait3A_89 = tpu.memref_slice %arg8[%run_scoped3A, %dma_wait3A_88] : memref<32x128xi32, #tpu.memory_space<vmem>> -> memref<1x128xi32, #tpu.memory_space<vmem>>
        %dma_wait3A_90 = tpu.memref_squeeze %dma_wait3A_89 : memref<1x128xi32, #tpu.memory_space<vmem>> -> memref<128xi32, #tpu.memory_space<vmem>>
        %dma_wait3A_91 = arith.constant 0 : i32
        %dma_wait3A_92 = arith.constant 0 : i32
        %dma_wait3A_93 = tpu.memref_slice %arg13[%dma_wait3A_91, %dma_wait3A_92] : memref<100096x8xf32, #tpu.memory_space<vmem_shared>> -> memref<100096x8xf32, #tpu.memory_space<vmem_shared>>
        tpu.wait_indirect_dma semaphore(%run_scoped3A_81 : memref<!tpu.dma_semaphore, #tpu.memory_space<semaphore_mem>>) src(%arg9 : memref<128x8xf32, #tpu.memory_space<vmem>>) dst(%dma_wait3A_93 : memref<100096x8xf32, #tpu.memory_space<vmem_shared>>)
        tpu.yield
      }) : () -> ()
      %dma_wait3A_57 = arith.constant 29 : i32
      %dma_wait3A_58 = arith.constant 0 : i32
      %dma_wait3A_59 = tpu.memref_slice %arg7[%dma_wait3A_57, %dma_wait3A_58] : memref<32x128xi32, #tpu.memory_space<vmem>> -> memref<1x128xi32, #tpu.memory_space<vmem>>
      %dma_wait3A_60 = tpu.memref_squeeze %dma_wait3A_59 : memref<1x128xi32, #tpu.memory_space<vmem>> -> memref<128xi32, #tpu.memory_space<vmem>>
      %dma_wait3A_61 = arith.constant 0 : i32
      %dma_wait3A_62 = arith.constant 0 : i32
      %dma_wait3A_63 = tpu.memref_slice %arg2[%dma_wait3A_61, %dma_wait3A_62] : memref<100096x8xf32, #tpu.memory_space<hbm>> -> memref<100096x8xf32, #tpu.memory_space<hbm>>
      tpu.wait_indirect_dma semaphore(%arg15 : memref<!tpu.dma_semaphore, #tpu.memory_space<semaphore_mem>>) src(%dma_wait3A_63 : memref<100096x8xf32, #tpu.memory_space<hbm>>) dst(%arg10 : memref<128x8xf32, #tpu.memory_space<vmem>>)
      %run_scoped3A_64 = arith.constant 29 : i32
      "tpu.region"() ({
        %run_scoped3A_81 = tpu.sem_alloc : memref<!tpu.dma_semaphore, #tpu.memory_space<semaphore_mem>>
        %dma_start3A_82 = arith.constant 0 : i32
        %dma_start3A_83 = tpu.memref_slice %arg8[%run_scoped3A_64, %dma_start3A_82] : memref<32x128xi32, #tpu.memory_space<vmem>> -> memref<1x128xi32, #tpu.memory_space<vmem>>
        %dma_start3A_84 = tpu.memref_squeeze %dma_start3A_83 : memref<1x128xi32, #tpu.memory_space<vmem>> -> memref<128xi32, #tpu.memory_space<vmem>>
        %dma_start3A_85 = arith.constant 0 : i32
        %dma_start3A_86 = arith.constant 0 : i32
        %dma_start3A_87 = tpu.memref_slice %arg13[%dma_start3A_85, %dma_start3A_86] : memref<100096x8xf32, #tpu.memory_space<vmem_shared>> -> memref<100096x8xf32, #tpu.memory_space<vmem_shared>>
        tpu.enqueue_indirect_dma source(%arg10 : memref<128x8xf32, #tpu.memory_space<vmem>>) target(%dma_start3A_87 : memref<100096x8xf32, #tpu.memory_space<vmem_shared>>) offsets(%dma_start3A_84 : memref<128xi32, #tpu.memory_space<vmem>>) semaphore(%run_scoped3A_81 : memref<!tpu.dma_semaphore, #tpu.memory_space<semaphore_mem>>) {add = true}
        %dma_wait3A_88 = arith.constant 0 : i32
        %dma_wait3A_89 = tpu.memref_slice %arg8[%run_scoped3A_64, %dma_wait3A_88] : memref<32x128xi32, #tpu.memory_space<vmem>> -> memref<1x128xi32, #tpu.memory_space<vmem>>
        %dma_wait3A_90 = tpu.memref_squeeze %dma_wait3A_89 : memref<1x128xi32, #tpu.memory_space<vmem>> -> memref<128xi32, #tpu.memory_space<vmem>>
        %dma_wait3A_91 = arith.constant 0 : i32
        %dma_wait3A_92 = arith.constant 0 : i32
        %dma_wait3A_93 = tpu.memref_slice %arg13[%dma_wait3A_91, %dma_wait3A_92] : memref<100096x8xf32, #tpu.memory_space<vmem_shared>> -> memref<100096x8xf32, #tpu.memory_space<vmem_shared>>
        tpu.wait_indirect_dma semaphore(%run_scoped3A_81 : memref<!tpu.dma_semaphore, #tpu.memory_space<semaphore_mem>>) src(%arg10 : memref<128x8xf32, #tpu.memory_space<vmem>>) dst(%dma_wait3A_93 : memref<100096x8xf32, #tpu.memory_space<vmem_shared>>)
        tpu.yield
      }) : () -> ()
      %dma_wait3A_65 = arith.constant 30 : i32
      %dma_wait3A_66 = arith.constant 0 : i32
      %dma_wait3A_67 = tpu.memref_slice %arg7[%dma_wait3A_65, %dma_wait3A_66] : memref<32x128xi32, #tpu.memory_space<vmem>> -> memref<1x128xi32, #tpu.memory_space<vmem>>
      %dma_wait3A_68 = tpu.memref_squeeze %dma_wait3A_67 : memref<1x128xi32, #tpu.memory_space<vmem>> -> memref<128xi32, #tpu.memory_space<vmem>>
      %dma_wait3A_69 = arith.constant 0 : i32
      %dma_wait3A_70 = arith.constant 0 : i32
      %dma_wait3A_71 = tpu.memref_slice %arg2[%dma_wait3A_69, %dma_wait3A_70] : memref<100096x8xf32, #tpu.memory_space<hbm>> -> memref<100096x8xf32, #tpu.memory_space<hbm>>
      tpu.wait_indirect_dma semaphore(%arg16 : memref<!tpu.dma_semaphore, #tpu.memory_space<semaphore_mem>>) src(%dma_wait3A_71 : memref<100096x8xf32, #tpu.memory_space<hbm>>) dst(%arg11 : memref<128x8xf32, #tpu.memory_space<vmem>>)
      %run_scoped3A_72 = arith.constant 30 : i32
      "tpu.region"() ({
        %run_scoped3A_81 = tpu.sem_alloc : memref<!tpu.dma_semaphore, #tpu.memory_space<semaphore_mem>>
        %dma_start3A_82 = arith.constant 0 : i32
        %dma_start3A_83 = tpu.memref_slice %arg8[%run_scoped3A_72, %dma_start3A_82] : memref<32x128xi32, #tpu.memory_space<vmem>> -> memref<1x128xi32, #tpu.memory_space<vmem>>
        %dma_start3A_84 = tpu.memref_squeeze %dma_start3A_83 : memref<1x128xi32, #tpu.memory_space<vmem>> -> memref<128xi32, #tpu.memory_space<vmem>>
        %dma_start3A_85 = arith.constant 0 : i32
        %dma_start3A_86 = arith.constant 0 : i32
        %dma_start3A_87 = tpu.memref_slice %arg13[%dma_start3A_85, %dma_start3A_86] : memref<100096x8xf32, #tpu.memory_space<vmem_shared>> -> memref<100096x8xf32, #tpu.memory_space<vmem_shared>>
        tpu.enqueue_indirect_dma source(%arg11 : memref<128x8xf32, #tpu.memory_space<vmem>>) target(%dma_start3A_87 : memref<100096x8xf32, #tpu.memory_space<vmem_shared>>) offsets(%dma_start3A_84 : memref<128xi32, #tpu.memory_space<vmem>>) semaphore(%run_scoped3A_81 : memref<!tpu.dma_semaphore, #tpu.memory_space<semaphore_mem>>) {add = true}
        %dma_wait3A_88 = arith.constant 0 : i32
        %dma_wait3A_89 = tpu.memref_slice %arg8[%run_scoped3A_72, %dma_wait3A_88] : memref<32x128xi32, #tpu.memory_space<vmem>> -> memref<1x128xi32, #tpu.memory_space<vmem>>
        %dma_wait3A_90 = tpu.memref_squeeze %dma_wait3A_89 : memref<1x128xi32, #tpu.memory_space<vmem>> -> memref<128xi32, #tpu.memory_space<vmem>>
        %dma_wait3A_91 = arith.constant 0 : i32
        %dma_wait3A_92 = arith.constant 0 : i32
        %dma_wait3A_93 = tpu.memref_slice %arg13[%dma_wait3A_91, %dma_wait3A_92] : memref<100096x8xf32, #tpu.memory_space<vmem_shared>> -> memref<100096x8xf32, #tpu.memory_space<vmem_shared>>
        tpu.wait_indirect_dma semaphore(%run_scoped3A_81 : memref<!tpu.dma_semaphore, #tpu.memory_space<semaphore_mem>>) src(%arg11 : memref<128x8xf32, #tpu.memory_space<vmem>>) dst(%dma_wait3A_93 : memref<100096x8xf32, #tpu.memory_space<vmem_shared>>)
        tpu.yield
      }) : () -> ()
      %dma_wait3A_73 = arith.constant 31 : i32
      %dma_wait3A_74 = arith.constant 0 : i32
      %dma_wait3A_75 = tpu.memref_slice %arg7[%dma_wait3A_73, %dma_wait3A_74] : memref<32x128xi32, #tpu.memory_space<vmem>> -> memref<1x128xi32, #tpu.memory_space<vmem>>
      %dma_wait3A_76 = tpu.memref_squeeze %dma_wait3A_75 : memref<1x128xi32, #tpu.memory_space<vmem>> -> memref<128xi32, #tpu.memory_space<vmem>>
      %dma_wait3A_77 = arith.constant 0 : i32
      %dma_wait3A_78 = arith.constant 0 : i32
      %dma_wait3A_79 = tpu.memref_slice %arg2[%dma_wait3A_77, %dma_wait3A_78] : memref<100096x8xf32, #tpu.memory_space<hbm>> -> memref<100096x8xf32, #tpu.memory_space<hbm>>
      tpu.wait_indirect_dma semaphore(%arg17 : memref<!tpu.dma_semaphore, #tpu.memory_space<semaphore_mem>>) src(%dma_wait3A_79 : memref<100096x8xf32, #tpu.memory_space<hbm>>) dst(%arg12 : memref<128x8xf32, #tpu.memory_space<vmem>>)
      %run_scoped3A_80 = arith.constant 31 : i32
      "tpu.region"() ({
        %run_scoped3A_81 = tpu.sem_alloc : memref<!tpu.dma_semaphore, #tpu.memory_space<semaphore_mem>>
        %dma_start3A_82 = arith.constant 0 : i32
        %dma_start3A_83 = tpu.memref_slice %arg8[%run_scoped3A_80, %dma_start3A_82] : memref<32x128xi32, #tpu.memory_space<vmem>> -> memref<1x128xi32, #tpu.memory_space<vmem>>
        %dma_start3A_84 = tpu.memref_squeeze %dma_start3A_83 : memref<1x128xi32, #tpu.memory_space<vmem>> -> memref<128xi32, #tpu.memory_space<vmem>>
        %dma_start3A_85 = arith.constant 0 : i32
        %dma_start3A_86 = arith.constant 0 : i32
        %dma_start3A_87 = tpu.memref_slice %arg13[%dma_start3A_85, %dma_start3A_86] : memref<100096x8xf32, #tpu.memory_space<vmem_shared>> -> memref<100096x8xf32, #tpu.memory_space<vmem_shared>>
        tpu.enqueue_indirect_dma source(%arg12 : memref<128x8xf32, #tpu.memory_space<vmem>>) target(%dma_start3A_87 : memref<100096x8xf32, #tpu.memory_space<vmem_shared>>) offsets(%dma_start3A_84 : memref<128xi32, #tpu.memory_space<vmem>>) semaphore(%run_scoped3A_81 : memref<!tpu.dma_semaphore, #tpu.memory_space<semaphore_mem>>) {add = true}
        %dma_wait3A_88 = arith.constant 0 : i32
        %dma_wait3A_89 = tpu.memref_slice %arg8[%run_scoped3A_80, %dma_wait3A_88] : memref<32x128xi32, #tpu.memory_space<vmem>> -> memref<1x128xi32, #tpu.memory_space<vmem>>
        %dma_wait3A_90 = tpu.memref_squeeze %dma_wait3A_89 : memref<1x128xi32, #tpu.memory_space<vmem>> -> memref<128xi32, #tpu.memory_space<vmem>>
        %dma_wait3A_91 = arith.constant 0 : i32
        %dma_wait3A_92 = arith.constant 0 : i32
        %dma_wait3A_93 = tpu.memref_slice %arg13[%dma_wait3A_91, %dma_wait3A_92] : memref<100096x8xf32, #tpu.memory_space<vmem_shared>> -> memref<100096x8xf32, #tpu.memory_space<vmem_shared>>
        tpu.wait_indirect_dma semaphore(%run_scoped3A_81 : memref<!tpu.dma_semaphore, #tpu.memory_space<semaphore_mem>>) src(%arg12 : memref<128x8xf32, #tpu.memory_space<vmem>>) dst(%dma_wait3A_93 : memref<100096x8xf32, #tpu.memory_space<vmem_shared>>)
        tpu.yield
      }) : () -> ()
    }
    %scan3A_9 = arith.constant 13 : i32
    %barrier3A_10 = arith.constant 0 : index
    tpu.barrier barrier_id(%barrier3A_10)
    %mul3A_11 = arith.constant 6256 : i32
    %mul3A_12 = arith.muli %arg1, %mul3A_11 : i32
    %mul3A_13 = arith.constant 6256 : i32
    %mul3A_14 = arith.muli %arg1, %mul3A_13 : i32
    "tpu.region"() ({
      %run_scoped3A = tpu.sem_alloc : memref<!tpu.dma_semaphore, #tpu.memory_space<semaphore_mem>>
      %dma_start3A = arith.constant 0 : i32
      %dma_start3A_15 = tpu.memref_slice %arg6[%arg0, %mul3A_14, %dma_start3A] : memref<2x100096x8xf32, #tpu.memory_space<hbm>> -> memref<1x6256x8xf32, #tpu.memory_space<hbm>>
      %dma_start3A_16 = tpu.memref_squeeze %dma_start3A_15 : memref<1x6256x8xf32, #tpu.memory_space<hbm>> -> memref<6256x8xf32, #tpu.memory_space<hbm>>
      %dma_start3A_17 = arith.constant 0 : i32
      %dma_start3A_18 = tpu.memref_slice %arg13[%mul3A_12, %dma_start3A_17] : memref<100096x8xf32, #tpu.memory_space<vmem_shared>> -> memref<6256x8xf32, #tpu.memory_space<vmem_shared>>
      tpu.enqueue_dma source(%dma_start3A_18 : memref<6256x8xf32, #tpu.memory_space<vmem_shared>>) target(%dma_start3A_16 : memref<6256x8xf32, #tpu.memory_space<hbm>>) target_semaphore(%run_scoped3A : memref<!tpu.dma_semaphore, #tpu.memory_space<semaphore_mem>>)
      %dma_wait3A = arith.constant 0 : i32
      %dma_wait3A_19 = tpu.memref_slice %arg6[%arg0, %mul3A_14, %dma_wait3A] : memref<2x100096x8xf32, #tpu.memory_space<hbm>> -> memref<1x6256x8xf32, #tpu.memory_space<hbm>>
      %dma_wait3A_20 = tpu.memref_squeeze %dma_wait3A_19 : memref<1x6256x8xf32, #tpu.memory_space<hbm>> -> memref<6256x8xf32, #tpu.memory_space<hbm>>
      %dma_wait3A_21 = arith.constant 0 : i32
      %dma_wait3A_22 = tpu.memref_slice %arg13[%mul3A_12, %dma_wait3A_21] : memref<100096x8xf32, #tpu.memory_space<vmem_shared>> -> memref<6256x8xf32, #tpu.memory_space<vmem_shared>>
      tpu.wait_dma2 semaphore(%run_scoped3A : memref<!tpu.dma_semaphore, #tpu.memory_space<semaphore_mem>>) src(%dma_wait3A_22 : memref<6256x8xf32, #tpu.memory_space<vmem_shared>>) dst(%dma_wait3A_20 : memref<6256x8xf32, #tpu.memory_space<hbm>>)
      tpu.yield
    }) : () -> ()
    return
  }
}

#map = affine_map<(d0, d1) -> (0, 0)>
#map1 = affine_map<(d0, d1) -> (0, 0, 0, 0)>
#map2 = affine_map<(d0, d1) -> (0, 0, 0)>
module attributes {stable_mosaic.version = 14 : i64} {
  func.func @spmm(%arg0: i32, %arg1: i32, %arg2: memref<200192x16xf32, #tpu.memory_space<hbm>>, %arg3: memref<2x16x832x128xi32, #tpu.memory_space<hbm>>, %arg4: memref<16x832x128xi32, #tpu.memory_space<hbm>>, %arg5: memref<100096x16xf32, #tpu.memory_space<hbm>>, %arg6: memref<100096x2x16xf32, #tpu.memory_space<hbm>>, %arg7: memref<32x128xi32, #tpu.memory_space<vmem>>, %arg8: memref<32x128xi32, #tpu.memory_space<vmem>>, %arg9: memref<128x16xf32, #tpu.memory_space<vmem>>, %arg10: memref<128x16xf32, #tpu.memory_space<vmem>>, %arg11: memref<128x16xf32, #tpu.memory_space<vmem>>, %arg12: memref<128x16xf32, #tpu.memory_space<vmem>>, %arg13: memref<100096x16xf32, #tpu.memory_space<vmem_shared>>, %arg14: memref<!tpu.dma_semaphore, #tpu.memory_space<semaphore_mem>>, %arg15: memref<!tpu.dma_semaphore, #tpu.memory_space<semaphore_mem>>, %arg16: memref<!tpu.dma_semaphore, #tpu.memory_space<semaphore_mem>>, %arg17: memref<!tpu.dma_semaphore, #tpu.memory_space<semaphore_mem>>) attributes {dimension_semantics = [#tpu.dimension_semantics<core_parallel>, #tpu.dimension_semantics<subcore_parallel>], iteration_bounds = array<i64: 2, 16>, scalar_prefetch = 0 : i64, scratch_operands = 11 : i64, tpu.core_type = #tpu.core_type<sc_vector_subcore>, window_params = [{transform_indices = #map}, {transform_indices = #map1}, {transform_indices = #map2}, {transform_indices = #map}, {transform_indices = #map2}]} {
    %mul3A = arith.constant 6256 : i32
    %mul3A_0 = arith.muli %arg1, %mul3A : i32
    %mul3A_1 = arith.constant 6256 : i32
    %mul3A_2 = arith.muli %arg1, %mul3A_1 : i32
    "tpu.region"() ({
      %run_scoped3A = tpu.sem_alloc : memref<!tpu.dma_semaphore, #tpu.memory_space<semaphore_mem>>
      %dma_start3A = arith.constant 0 : i32
      %dma_start3A_13 = tpu.memref_slice %arg13[%mul3A_2, %dma_start3A] : memref<100096x16xf32, #tpu.memory_space<vmem_shared>> -> memref<6256x16xf32, #tpu.memory_space<vmem_shared>>
      %dma_start3A_14 = arith.constant 0 : i32
      %dma_start3A_15 = tpu.memref_slice %arg5[%mul3A_0, %dma_start3A_14] : memref<100096x16xf32, #tpu.memory_space<hbm>> -> memref<6256x16xf32, #tpu.memory_space<hbm>>
      tpu.enqueue_dma source(%dma_start3A_15 : memref<6256x16xf32, #tpu.memory_space<hbm>>) target(%dma_start3A_13 : memref<6256x16xf32, #tpu.memory_space<vmem_shared>>) target_semaphore(%run_scoped3A : memref<!tpu.dma_semaphore, #tpu.memory_space<semaphore_mem>>)
      %dma_wait3A = arith.constant 0 : i32
      %dma_wait3A_16 = tpu.memref_slice %arg13[%mul3A_2, %dma_wait3A] : memref<100096x16xf32, #tpu.memory_space<vmem_shared>> -> memref<6256x16xf32, #tpu.memory_space<vmem_shared>>
      %dma_wait3A_17 = arith.constant 0 : i32
      %dma_wait3A_18 = tpu.memref_slice %arg5[%mul3A_0, %dma_wait3A_17] : memref<100096x16xf32, #tpu.memory_space<hbm>> -> memref<6256x16xf32, #tpu.memory_space<hbm>>
      tpu.wait_dma2 semaphore(%run_scoped3A : memref<!tpu.dma_semaphore, #tpu.memory_space<semaphore_mem>>) src(%dma_wait3A_18 : memref<6256x16xf32, #tpu.memory_space<hbm>>) dst(%dma_wait3A_16 : memref<6256x16xf32, #tpu.memory_space<vmem_shared>>)
      tpu.yield
    }) : () -> ()
    %barrier3A = arith.constant 0 : index
    tpu.barrier barrier_id(%barrier3A)
    %scan3A = arith.constant 0 : i32
    %scan3A_3 = arith.constant 0 : i32
    %scan3A_4 = arith.constant 26 : i32
    %scan3A_5 = arith.addi %scan3A_3, %scan3A_4 : i32
    %scan3A_6 = arith.constant 1 : i32
    scf.for %scan3A_13 = %scan3A_3 to %scan3A_5 step %scan3A_6  : i32 {
      %mul3A_14 = arith.constant 32 : i32
      %mul3A_15 = arith.muli %scan3A_13, %mul3A_14 : i32
      %multiple_of3A = tpu.assume_multiple %mul3A_15, 32 : i32
      "tpu.region"() ({
        %run_scoped3A_79 = tpu.sem_alloc : memref<!tpu.dma_semaphore, #tpu.memory_space<semaphore_mem>>
        %dma_start3A_80 = arith.constant 0 : i32
        %dma_start3A_81 = tpu.memref_slice %arg3[%arg0, %arg1, %multiple_of3A, %dma_start3A_80] : memref<2x16x832x128xi32, #tpu.memory_space<hbm>> -> memref<1x1x32x128xi32, #tpu.memory_space<hbm>>
        %dma_start3A_82 = tpu.memref_squeeze %dma_start3A_81 : memref<1x1x32x128xi32, #tpu.memory_space<hbm>> -> memref<32x128xi32, #tpu.memory_space<hbm>>
        %dma_start3A_83 = arith.constant 0 : i32
        %dma_start3A_84 = tpu.memref_slice %arg3[%arg0, %arg1, %multiple_of3A, %dma_start3A_83] : memref<2x16x832x128xi32, #tpu.memory_space<hbm>> -> memref<1x1x32x128xi32, #tpu.memory_space<hbm>>
        %dma_start3A_85 = tpu.memref_squeeze %dma_start3A_84 : memref<1x1x32x128xi32, #tpu.memory_space<hbm>> -> memref<32x128xi32, #tpu.memory_space<hbm>>
        tpu.enqueue_dma source(%dma_start3A_85 : memref<32x128xi32, #tpu.memory_space<hbm>>) target(%arg7 : memref<32x128xi32, #tpu.memory_space<vmem>>) target_semaphore(%run_scoped3A_79 : memref<!tpu.dma_semaphore, #tpu.memory_space<semaphore_mem>>)
        %dma_wait3A_86 = arith.constant 0 : i32
        %dma_wait3A_87 = tpu.memref_slice %arg3[%arg0, %arg1, %multiple_of3A, %dma_wait3A_86] : memref<2x16x832x128xi32, #tpu.memory_space<hbm>> -> memref<1x1x32x128xi32, #tpu.memory_space<hbm>>
        %dma_wait3A_88 = tpu.memref_squeeze %dma_wait3A_87 : memref<1x1x32x128xi32, #tpu.memory_space<hbm>> -> memref<32x128xi32, #tpu.memory_space<hbm>>
        %dma_wait3A_89 = arith.constant 0 : i32
        %dma_wait3A_90 = tpu.memref_slice %arg3[%arg0, %arg1, %multiple_of3A, %dma_wait3A_89] : memref<2x16x832x128xi32, #tpu.memory_space<hbm>> -> memref<1x1x32x128xi32, #tpu.memory_space<hbm>>
        %dma_wait3A_91 = tpu.memref_squeeze %dma_wait3A_90 : memref<1x1x32x128xi32, #tpu.memory_space<hbm>> -> memref<32x128xi32, #tpu.memory_space<hbm>>
        tpu.wait_dma2 semaphore(%run_scoped3A_79 : memref<!tpu.dma_semaphore, #tpu.memory_space<semaphore_mem>>) src(%dma_wait3A_91 : memref<32x128xi32, #tpu.memory_space<hbm>>) dst(%arg7 : memref<32x128xi32, #tpu.memory_space<vmem>>)
        tpu.yield
      }) : () -> ()
      "tpu.region"() ({
        %run_scoped3A_79 = tpu.sem_alloc : memref<!tpu.dma_semaphore, #tpu.memory_space<semaphore_mem>>
        %dma_start3A_80 = arith.constant 0 : i32
        %dma_start3A_81 = tpu.memref_slice %arg4[%arg1, %multiple_of3A, %dma_start3A_80] : memref<16x832x128xi32, #tpu.memory_space<hbm>> -> memref<1x32x128xi32, #tpu.memory_space<hbm>>
        %dma_start3A_82 = tpu.memref_squeeze %dma_start3A_81 : memref<1x32x128xi32, #tpu.memory_space<hbm>> -> memref<32x128xi32, #tpu.memory_space<hbm>>
        %dma_start3A_83 = arith.constant 0 : i32
        %dma_start3A_84 = tpu.memref_slice %arg4[%arg1, %multiple_of3A, %dma_start3A_83] : memref<16x832x128xi32, #tpu.memory_space<hbm>> -> memref<1x32x128xi32, #tpu.memory_space<hbm>>
        %dma_start3A_85 = tpu.memref_squeeze %dma_start3A_84 : memref<1x32x128xi32, #tpu.memory_space<hbm>> -> memref<32x128xi32, #tpu.memory_space<hbm>>
        tpu.enqueue_dma source(%dma_start3A_85 : memref<32x128xi32, #tpu.memory_space<hbm>>) target(%arg8 : memref<32x128xi32, #tpu.memory_space<vmem>>) target_semaphore(%run_scoped3A_79 : memref<!tpu.dma_semaphore, #tpu.memory_space<semaphore_mem>>)
        %dma_wait3A_86 = arith.constant 0 : i32
        %dma_wait3A_87 = tpu.memref_slice %arg4[%arg1, %multiple_of3A, %dma_wait3A_86] : memref<16x832x128xi32, #tpu.memory_space<hbm>> -> memref<1x32x128xi32, #tpu.memory_space<hbm>>
        %dma_wait3A_88 = tpu.memref_squeeze %dma_wait3A_87 : memref<1x32x128xi32, #tpu.memory_space<hbm>> -> memref<32x128xi32, #tpu.memory_space<hbm>>
        %dma_wait3A_89 = arith.constant 0 : i32
        %dma_wait3A_90 = tpu.memref_slice %arg4[%arg1, %multiple_of3A, %dma_wait3A_89] : memref<16x832x128xi32, #tpu.memory_space<hbm>> -> memref<1x32x128xi32, #tpu.memory_space<hbm>>
        %dma_wait3A_91 = tpu.memref_squeeze %dma_wait3A_90 : memref<1x32x128xi32, #tpu.memory_space<hbm>> -> memref<32x128xi32, #tpu.memory_space<hbm>>
        tpu.wait_dma2 semaphore(%run_scoped3A_79 : memref<!tpu.dma_semaphore, #tpu.memory_space<semaphore_mem>>) src(%dma_wait3A_91 : memref<32x128xi32, #tpu.memory_space<hbm>>) dst(%arg8 : memref<32x128xi32, #tpu.memory_space<vmem>>)
        tpu.yield
      }) : () -> ()
      %dma_start3A = arith.constant 0 : i32
      %dma_start3A_16 = arith.constant 0 : i32
      %dma_start3A_17 = tpu.memref_slice %arg7[%dma_start3A, %dma_start3A_16] : memref<32x128xi32, #tpu.memory_space<vmem>> -> memref<1x128xi32, #tpu.memory_space<vmem>>
      %dma_start3A_18 = tpu.memref_squeeze %dma_start3A_17 : memref<1x128xi32, #tpu.memory_space<vmem>> -> memref<128xi32, #tpu.memory_space<vmem>>
      %dma_start3A_19 = arith.constant 0 : i32
      %dma_start3A_20 = arith.constant 0 : i32
      %dma_start3A_21 = tpu.memref_slice %arg2[%dma_start3A_19, %dma_start3A_20] : memref<200192x16xf32, #tpu.memory_space<hbm>> -> memref<200192x16xf32, #tpu.memory_space<hbm>>
      tpu.enqueue_indirect_dma source(%dma_start3A_21 : memref<200192x16xf32, #tpu.memory_space<hbm>>) target(%arg9 : memref<128x16xf32, #tpu.memory_space<vmem>>) offsets(%dma_start3A_18 : memref<128xi32, #tpu.memory_space<vmem>>) semaphore(%arg14 : memref<!tpu.dma_semaphore, #tpu.memory_space<semaphore_mem>>)
      %dma_start3A_22 = arith.constant 1 : i32
      %dma_start3A_23 = arith.constant 0 : i32
      %dma_start3A_24 = tpu.memref_slice %arg7[%dma_start3A_22, %dma_start3A_23] : memref<32x128xi32, #tpu.memory_space<vmem>> -> memref<1x128xi32, #tpu.memory_space<vmem>>
      %dma_start3A_25 = tpu.memref_squeeze %dma_start3A_24 : memref<1x128xi32, #tpu.memory_space<vmem>> -> memref<128xi32, #tpu.memory_space<vmem>>
      %dma_start3A_26 = arith.constant 0 : i32
      %dma_start3A_27 = arith.constant 0 : i32
      %dma_start3A_28 = tpu.memref_slice %arg2[%dma_start3A_26, %dma_start3A_27] : memref<200192x16xf32, #tpu.memory_space<hbm>> -> memref<200192x16xf32, #tpu.memory_space<hbm>>
      tpu.enqueue_indirect_dma source(%dma_start3A_28 : memref<200192x16xf32, #tpu.memory_space<hbm>>) target(%arg10 : memref<128x16xf32, #tpu.memory_space<vmem>>) offsets(%dma_start3A_25 : memref<128xi32, #tpu.memory_space<vmem>>) semaphore(%arg15 : memref<!tpu.dma_semaphore, #tpu.memory_space<semaphore_mem>>)
      %dma_start3A_29 = arith.constant 2 : i32
      %dma_start3A_30 = arith.constant 0 : i32
      %dma_start3A_31 = tpu.memref_slice %arg7[%dma_start3A_29, %dma_start3A_30] : memref<32x128xi32, #tpu.memory_space<vmem>> -> memref<1x128xi32, #tpu.memory_space<vmem>>
      %dma_start3A_32 = tpu.memref_squeeze %dma_start3A_31 : memref<1x128xi32, #tpu.memory_space<vmem>> -> memref<128xi32, #tpu.memory_space<vmem>>
      %dma_start3A_33 = arith.constant 0 : i32
      %dma_start3A_34 = arith.constant 0 : i32
      %dma_start3A_35 = tpu.memref_slice %arg2[%dma_start3A_33, %dma_start3A_34] : memref<200192x16xf32, #tpu.memory_space<hbm>> -> memref<200192x16xf32, #tpu.memory_space<hbm>>
      tpu.enqueue_indirect_dma source(%dma_start3A_35 : memref<200192x16xf32, #tpu.memory_space<hbm>>) target(%arg11 : memref<128x16xf32, #tpu.memory_space<vmem>>) offsets(%dma_start3A_32 : memref<128xi32, #tpu.memory_space<vmem>>) semaphore(%arg16 : memref<!tpu.dma_semaphore, #tpu.memory_space<semaphore_mem>>)
      %dma_start3A_36 = arith.constant 3 : i32
      %dma_start3A_37 = arith.constant 0 : i32
      %dma_start3A_38 = tpu.memref_slice %arg7[%dma_start3A_36, %dma_start3A_37] : memref<32x128xi32, #tpu.memory_space<vmem>> -> memref<1x128xi32, #tpu.memory_space<vmem>>
      %dma_start3A_39 = tpu.memref_squeeze %dma_start3A_38 : memref<1x128xi32, #tpu.memory_space<vmem>> -> memref<128xi32, #tpu.memory_space<vmem>>
      %dma_start3A_40 = arith.constant 0 : i32
      %dma_start3A_41 = arith.constant 0 : i32
      %dma_start3A_42 = tpu.memref_slice %arg2[%dma_start3A_40, %dma_start3A_41] : memref<200192x16xf32, #tpu.memory_space<hbm>> -> memref<200192x16xf32, #tpu.memory_space<hbm>>
      tpu.enqueue_indirect_dma source(%dma_start3A_42 : memref<200192x16xf32, #tpu.memory_space<hbm>>) target(%arg12 : memref<128x16xf32, #tpu.memory_space<vmem>>) offsets(%dma_start3A_39 : memref<128xi32, #tpu.memory_space<vmem>>) semaphore(%arg17 : memref<!tpu.dma_semaphore, #tpu.memory_space<semaphore_mem>>)
      %scan3A_43 = arith.constant 0 : i32
      %scan3A_44 = arith.constant 0 : i32
      %scan3A_45 = arith.constant 7 : i32
      %scan3A_46 = arith.addi %scan3A_44, %scan3A_45 : i32
      %scan3A_47 = arith.constant 1 : i32
      scf.for %scan3A_79 = %scan3A_44 to %scan3A_46 step %scan3A_47  : i32 {
        %mul3A_80 = arith.constant 4 : i32
        %mul3A_81 = arith.muli %scan3A_79, %mul3A_80 : i32
        %add3A = arith.constant 0 : i32
        %add3A_82 = arith.addi %mul3A_81, %add3A : i32
        %dma_wait3A_83 = arith.constant 0 : i32
        %dma_wait3A_84 = tpu.memref_slice %arg7[%add3A_82, %dma_wait3A_83] : memref<32x128xi32, #tpu.memory_space<vmem>> -> memref<1x128xi32, #tpu.memory_space<vmem>>
        %dma_wait3A_85 = tpu.memref_squeeze %dma_wait3A_84 : memref<1x128xi32, #tpu.memory_space<vmem>> -> memref<128xi32, #tpu.memory_space<vmem>>
        %dma_wait3A_86 = arith.constant 0 : i32
        %dma_wait3A_87 = arith.constant 0 : i32
        %dma_wait3A_88 = tpu.memref_slice %arg2[%dma_wait3A_86, %dma_wait3A_87] : memref<200192x16xf32, #tpu.memory_space<hbm>> -> memref<200192x16xf32, #tpu.memory_space<hbm>>
        tpu.wait_indirect_dma semaphore(%arg14 : memref<!tpu.dma_semaphore, #tpu.memory_space<semaphore_mem>>) src(%dma_wait3A_88 : memref<200192x16xf32, #tpu.memory_space<hbm>>) dst(%arg9 : memref<128x16xf32, #tpu.memory_space<vmem>>)
        "tpu.region"() ({
          %run_scoped3A_145 = tpu.sem_alloc : memref<!tpu.dma_semaphore, #tpu.memory_space<semaphore_mem>>
          %dma_start3A_146 = arith.constant 0 : i32
          %dma_start3A_147 = tpu.memref_slice %arg8[%add3A_82, %dma_start3A_146] : memref<32x128xi32, #tpu.memory_space<vmem>> -> memref<1x128xi32, #tpu.memory_space<vmem>>
          %dma_start3A_148 = tpu.memref_squeeze %dma_start3A_147 : memref<1x128xi32, #tpu.memory_space<vmem>> -> memref<128xi32, #tpu.memory_space<vmem>>
          %dma_start3A_149 = arith.constant 0 : i32
          %dma_start3A_150 = arith.constant 0 : i32
          %dma_start3A_151 = tpu.memref_slice %arg13[%dma_start3A_149, %dma_start3A_150] : memref<100096x16xf32, #tpu.memory_space<vmem_shared>> -> memref<100096x16xf32, #tpu.memory_space<vmem_shared>>
          tpu.enqueue_indirect_dma source(%arg9 : memref<128x16xf32, #tpu.memory_space<vmem>>) target(%dma_start3A_151 : memref<100096x16xf32, #tpu.memory_space<vmem_shared>>) offsets(%dma_start3A_148 : memref<128xi32, #tpu.memory_space<vmem>>) semaphore(%run_scoped3A_145 : memref<!tpu.dma_semaphore, #tpu.memory_space<semaphore_mem>>) {add = true}
          %dma_wait3A_152 = arith.constant 0 : i32
          %dma_wait3A_153 = tpu.memref_slice %arg8[%add3A_82, %dma_wait3A_152] : memref<32x128xi32, #tpu.memory_space<vmem>> -> memref<1x128xi32, #tpu.memory_space<vmem>>
          %dma_wait3A_154 = tpu.memref_squeeze %dma_wait3A_153 : memref<1x128xi32, #tpu.memory_space<vmem>> -> memref<128xi32, #tpu.memory_space<vmem>>
          %dma_wait3A_155 = arith.constant 0 : i32
          %dma_wait3A_156 = arith.constant 0 : i32
          %dma_wait3A_157 = tpu.memref_slice %arg13[%dma_wait3A_155, %dma_wait3A_156] : memref<100096x16xf32, #tpu.memory_space<vmem_shared>> -> memref<100096x16xf32, #tpu.memory_space<vmem_shared>>
          tpu.wait_indirect_dma semaphore(%run_scoped3A_145 : memref<!tpu.dma_semaphore, #tpu.memory_space<semaphore_mem>>) src(%arg9 : memref<128x16xf32, #tpu.memory_space<vmem>>) dst(%dma_wait3A_157 : memref<100096x16xf32, #tpu.memory_space<vmem_shared>>)
          tpu.yield
        }) : () -> ()
        %add3A_89 = arith.constant 4 : i32
        %add3A_90 = arith.addi %add3A_82, %add3A_89 : i32
        %dma_start3A_91 = arith.constant 0 : i32
        %dma_start3A_92 = tpu.memref_slice %arg7[%add3A_90, %dma_start3A_91] : memref<32x128xi32, #tpu.memory_space<vmem>> -> memref<1x128xi32, #tpu.memory_space<vmem>>
        %dma_start3A_93 = tpu.memref_squeeze %dma_start3A_92 : memref<1x128xi32, #tpu.memory_space<vmem>> -> memref<128xi32, #tpu.memory_space<vmem>>
        %dma_start3A_94 = arith.constant 0 : i32
        %dma_start3A_95 = arith.constant 0 : i32
        %dma_start3A_96 = tpu.memref_slice %arg2[%dma_start3A_94, %dma_start3A_95] : memref<200192x16xf32, #tpu.memory_space<hbm>> -> memref<200192x16xf32, #tpu.memory_space<hbm>>
        tpu.enqueue_indirect_dma source(%dma_start3A_96 : memref<200192x16xf32, #tpu.memory_space<hbm>>) target(%arg9 : memref<128x16xf32, #tpu.memory_space<vmem>>) offsets(%dma_start3A_93 : memref<128xi32, #tpu.memory_space<vmem>>) semaphore(%arg14 : memref<!tpu.dma_semaphore, #tpu.memory_space<semaphore_mem>>)
        %add3A_97 = arith.constant 1 : i32
        %add3A_98 = arith.addi %mul3A_81, %add3A_97 : i32
        %dma_wait3A_99 = arith.constant 0 : i32
        %dma_wait3A_100 = tpu.memref_slice %arg7[%add3A_98, %dma_wait3A_99] : memref<32x128xi32, #tpu.memory_space<vmem>> -> memref<1x128xi32, #tpu.memory_space<vmem>>
        %dma_wait3A_101 = tpu.memref_squeeze %dma_wait3A_100 : memref<1x128xi32, #tpu.memory_space<vmem>> -> memref<128xi32, #tpu.memory_space<vmem>>
        %dma_wait3A_102 = arith.constant 0 : i32
        %dma_wait3A_103 = arith.constant 0 : i32
        %dma_wait3A_104 = tpu.memref_slice %arg2[%dma_wait3A_102, %dma_wait3A_103] : memref<200192x16xf32, #tpu.memory_space<hbm>> -> memref<200192x16xf32, #tpu.memory_space<hbm>>
        tpu.wait_indirect_dma semaphore(%arg15 : memref<!tpu.dma_semaphore, #tpu.memory_space<semaphore_mem>>) src(%dma_wait3A_104 : memref<200192x16xf32, #tpu.memory_space<hbm>>) dst(%arg10 : memref<128x16xf32, #tpu.memory_space<vmem>>)
        "tpu.region"() ({
          %run_scoped3A_145 = tpu.sem_alloc : memref<!tpu.dma_semaphore, #tpu.memory_space<semaphore_mem>>
          %dma_start3A_146 = arith.constant 0 : i32
          %dma_start3A_147 = tpu.memref_slice %arg8[%add3A_98, %dma_start3A_146] : memref<32x128xi32, #tpu.memory_space<vmem>> -> memref<1x128xi32, #tpu.memory_space<vmem>>
          %dma_start3A_148 = tpu.memref_squeeze %dma_start3A_147 : memref<1x128xi32, #tpu.memory_space<vmem>> -> memref<128xi32, #tpu.memory_space<vmem>>
          %dma_start3A_149 = arith.constant 0 : i32
          %dma_start3A_150 = arith.constant 0 : i32
          %dma_start3A_151 = tpu.memref_slice %arg13[%dma_start3A_149, %dma_start3A_150] : memref<100096x16xf32, #tpu.memory_space<vmem_shared>> -> memref<100096x16xf32, #tpu.memory_space<vmem_shared>>
          tpu.enqueue_indirect_dma source(%arg10 : memref<128x16xf32, #tpu.memory_space<vmem>>) target(%dma_start3A_151 : memref<100096x16xf32, #tpu.memory_space<vmem_shared>>) offsets(%dma_start3A_148 : memref<128xi32, #tpu.memory_space<vmem>>) semaphore(%run_scoped3A_145 : memref<!tpu.dma_semaphore, #tpu.memory_space<semaphore_mem>>) {add = true}
          %dma_wait3A_152 = arith.constant 0 : i32
          %dma_wait3A_153 = tpu.memref_slice %arg8[%add3A_98, %dma_wait3A_152] : memref<32x128xi32, #tpu.memory_space<vmem>> -> memref<1x128xi32, #tpu.memory_space<vmem>>
          %dma_wait3A_154 = tpu.memref_squeeze %dma_wait3A_153 : memref<1x128xi32, #tpu.memory_space<vmem>> -> memref<128xi32, #tpu.memory_space<vmem>>
          %dma_wait3A_155 = arith.constant 0 : i32
          %dma_wait3A_156 = arith.constant 0 : i32
          %dma_wait3A_157 = tpu.memref_slice %arg13[%dma_wait3A_155, %dma_wait3A_156] : memref<100096x16xf32, #tpu.memory_space<vmem_shared>> -> memref<100096x16xf32, #tpu.memory_space<vmem_shared>>
          tpu.wait_indirect_dma semaphore(%run_scoped3A_145 : memref<!tpu.dma_semaphore, #tpu.memory_space<semaphore_mem>>) src(%arg10 : memref<128x16xf32, #tpu.memory_space<vmem>>) dst(%dma_wait3A_157 : memref<100096x16xf32, #tpu.memory_space<vmem_shared>>)
          tpu.yield
        }) : () -> ()
        %add3A_105 = arith.constant 4 : i32
        %add3A_106 = arith.addi %add3A_98, %add3A_105 : i32
        %dma_start3A_107 = arith.constant 0 : i32
        %dma_start3A_108 = tpu.memref_slice %arg7[%add3A_106, %dma_start3A_107] : memref<32x128xi32, #tpu.memory_space<vmem>> -> memref<1x128xi32, #tpu.memory_space<vmem>>
        %dma_start3A_109 = tpu.memref_squeeze %dma_start3A_108 : memref<1x128xi32, #tpu.memory_space<vmem>> -> memref<128xi32, #tpu.memory_space<vmem>>
        %dma_start3A_110 = arith.constant 0 : i32
        %dma_start3A_111 = arith.constant 0 : i32
        %dma_start3A_112 = tpu.memref_slice %arg2[%dma_start3A_110, %dma_start3A_111] : memref<200192x16xf32, #tpu.memory_space<hbm>> -> memref<200192x16xf32, #tpu.memory_space<hbm>>
        tpu.enqueue_indirect_dma source(%dma_start3A_112 : memref<200192x16xf32, #tpu.memory_space<hbm>>) target(%arg10 : memref<128x16xf32, #tpu.memory_space<vmem>>) offsets(%dma_start3A_109 : memref<128xi32, #tpu.memory_space<vmem>>) semaphore(%arg15 : memref<!tpu.dma_semaphore, #tpu.memory_space<semaphore_mem>>)
        %add3A_113 = arith.constant 2 : i32
        %add3A_114 = arith.addi %mul3A_81, %add3A_113 : i32
        %dma_wait3A_115 = arith.constant 0 : i32
        %dma_wait3A_116 = tpu.memref_slice %arg7[%add3A_114, %dma_wait3A_115] : memref<32x128xi32, #tpu.memory_space<vmem>> -> memref<1x128xi32, #tpu.memory_space<vmem>>
        %dma_wait3A_117 = tpu.memref_squeeze %dma_wait3A_116 : memref<1x128xi32, #tpu.memory_space<vmem>> -> memref<128xi32, #tpu.memory_space<vmem>>
        %dma_wait3A_118 = arith.constant 0 : i32
        %dma_wait3A_119 = arith.constant 0 : i32
        %dma_wait3A_120 = tpu.memref_slice %arg2[%dma_wait3A_118, %dma_wait3A_119] : memref<200192x16xf32, #tpu.memory_space<hbm>> -> memref<200192x16xf32, #tpu.memory_space<hbm>>
        tpu.wait_indirect_dma semaphore(%arg16 : memref<!tpu.dma_semaphore, #tpu.memory_space<semaphore_mem>>) src(%dma_wait3A_120 : memref<200192x16xf32, #tpu.memory_space<hbm>>) dst(%arg11 : memref<128x16xf32, #tpu.memory_space<vmem>>)
        "tpu.region"() ({
          %run_scoped3A_145 = tpu.sem_alloc : memref<!tpu.dma_semaphore, #tpu.memory_space<semaphore_mem>>
          %dma_start3A_146 = arith.constant 0 : i32
          %dma_start3A_147 = tpu.memref_slice %arg8[%add3A_114, %dma_start3A_146] : memref<32x128xi32, #tpu.memory_space<vmem>> -> memref<1x128xi32, #tpu.memory_space<vmem>>
          %dma_start3A_148 = tpu.memref_squeeze %dma_start3A_147 : memref<1x128xi32, #tpu.memory_space<vmem>> -> memref<128xi32, #tpu.memory_space<vmem>>
          %dma_start3A_149 = arith.constant 0 : i32
          %dma_start3A_150 = arith.constant 0 : i32
          %dma_start3A_151 = tpu.memref_slice %arg13[%dma_start3A_149, %dma_start3A_150] : memref<100096x16xf32, #tpu.memory_space<vmem_shared>> -> memref<100096x16xf32, #tpu.memory_space<vmem_shared>>
          tpu.enqueue_indirect_dma source(%arg11 : memref<128x16xf32, #tpu.memory_space<vmem>>) target(%dma_start3A_151 : memref<100096x16xf32, #tpu.memory_space<vmem_shared>>) offsets(%dma_start3A_148 : memref<128xi32, #tpu.memory_space<vmem>>) semaphore(%run_scoped3A_145 : memref<!tpu.dma_semaphore, #tpu.memory_space<semaphore_mem>>) {add = true}
          %dma_wait3A_152 = arith.constant 0 : i32
          %dma_wait3A_153 = tpu.memref_slice %arg8[%add3A_114, %dma_wait3A_152] : memref<32x128xi32, #tpu.memory_space<vmem>> -> memref<1x128xi32, #tpu.memory_space<vmem>>
          %dma_wait3A_154 = tpu.memref_squeeze %dma_wait3A_153 : memref<1x128xi32, #tpu.memory_space<vmem>> -> memref<128xi32, #tpu.memory_space<vmem>>
          %dma_wait3A_155 = arith.constant 0 : i32
          %dma_wait3A_156 = arith.constant 0 : i32
          %dma_wait3A_157 = tpu.memref_slice %arg13[%dma_wait3A_155, %dma_wait3A_156] : memref<100096x16xf32, #tpu.memory_space<vmem_shared>> -> memref<100096x16xf32, #tpu.memory_space<vmem_shared>>
          tpu.wait_indirect_dma semaphore(%run_scoped3A_145 : memref<!tpu.dma_semaphore, #tpu.memory_space<semaphore_mem>>) src(%arg11 : memref<128x16xf32, #tpu.memory_space<vmem>>) dst(%dma_wait3A_157 : memref<100096x16xf32, #tpu.memory_space<vmem_shared>>)
          tpu.yield
        }) : () -> ()
        %add3A_121 = arith.constant 4 : i32
        %add3A_122 = arith.addi %add3A_114, %add3A_121 : i32
        %dma_start3A_123 = arith.constant 0 : i32
        %dma_start3A_124 = tpu.memref_slice %arg7[%add3A_122, %dma_start3A_123] : memref<32x128xi32, #tpu.memory_space<vmem>> -> memref<1x128xi32, #tpu.memory_space<vmem>>
        %dma_start3A_125 = tpu.memref_squeeze %dma_start3A_124 : memref<1x128xi32, #tpu.memory_space<vmem>> -> memref<128xi32, #tpu.memory_space<vmem>>
        %dma_start3A_126 = arith.constant 0 : i32
        %dma_start3A_127 = arith.constant 0 : i32
        %dma_start3A_128 = tpu.memref_slice %arg2[%dma_start3A_126, %dma_start3A_127] : memref<200192x16xf32, #tpu.memory_space<hbm>> -> memref<200192x16xf32, #tpu.memory_space<hbm>>
        tpu.enqueue_indirect_dma source(%dma_start3A_128 : memref<200192x16xf32, #tpu.memory_space<hbm>>) target(%arg11 : memref<128x16xf32, #tpu.memory_space<vmem>>) offsets(%dma_start3A_125 : memref<128xi32, #tpu.memory_space<vmem>>) semaphore(%arg16 : memref<!tpu.dma_semaphore, #tpu.memory_space<semaphore_mem>>)
        %add3A_129 = arith.constant 3 : i32
        %add3A_130 = arith.addi %mul3A_81, %add3A_129 : i32
        %dma_wait3A_131 = arith.constant 0 : i32
        %dma_wait3A_132 = tpu.memref_slice %arg7[%add3A_130, %dma_wait3A_131] : memref<32x128xi32, #tpu.memory_space<vmem>> -> memref<1x128xi32, #tpu.memory_space<vmem>>
        %dma_wait3A_133 = tpu.memref_squeeze %dma_wait3A_132 : memref<1x128xi32, #tpu.memory_space<vmem>> -> memref<128xi32, #tpu.memory_space<vmem>>
        %dma_wait3A_134 = arith.constant 0 : i32
        %dma_wait3A_135 = arith.constant 0 : i32
        %dma_wait3A_136 = tpu.memref_slice %arg2[%dma_wait3A_134, %dma_wait3A_135] : memref<200192x16xf32, #tpu.memory_space<hbm>> -> memref<200192x16xf32, #tpu.memory_space<hbm>>
        tpu.wait_indirect_dma semaphore(%arg17 : memref<!tpu.dma_semaphore, #tpu.memory_space<semaphore_mem>>) src(%dma_wait3A_136 : memref<200192x16xf32, #tpu.memory_space<hbm>>) dst(%arg12 : memref<128x16xf32, #tpu.memory_space<vmem>>)
        "tpu.region"() ({
          %run_scoped3A_145 = tpu.sem_alloc : memref<!tpu.dma_semaphore, #tpu.memory_space<semaphore_mem>>
          %dma_start3A_146 = arith.constant 0 : i32
          %dma_start3A_147 = tpu.memref_slice %arg8[%add3A_130, %dma_start3A_146] : memref<32x128xi32, #tpu.memory_space<vmem>> -> memref<1x128xi32, #tpu.memory_space<vmem>>
          %dma_start3A_148 = tpu.memref_squeeze %dma_start3A_147 : memref<1x128xi32, #tpu.memory_space<vmem>> -> memref<128xi32, #tpu.memory_space<vmem>>
          %dma_start3A_149 = arith.constant 0 : i32
          %dma_start3A_150 = arith.constant 0 : i32
          %dma_start3A_151 = tpu.memref_slice %arg13[%dma_start3A_149, %dma_start3A_150] : memref<100096x16xf32, #tpu.memory_space<vmem_shared>> -> memref<100096x16xf32, #tpu.memory_space<vmem_shared>>
          tpu.enqueue_indirect_dma source(%arg12 : memref<128x16xf32, #tpu.memory_space<vmem>>) target(%dma_start3A_151 : memref<100096x16xf32, #tpu.memory_space<vmem_shared>>) offsets(%dma_start3A_148 : memref<128xi32, #tpu.memory_space<vmem>>) semaphore(%run_scoped3A_145 : memref<!tpu.dma_semaphore, #tpu.memory_space<semaphore_mem>>) {add = true}
          %dma_wait3A_152 = arith.constant 0 : i32
          %dma_wait3A_153 = tpu.memref_slice %arg8[%add3A_130, %dma_wait3A_152] : memref<32x128xi32, #tpu.memory_space<vmem>> -> memref<1x128xi32, #tpu.memory_space<vmem>>
          %dma_wait3A_154 = tpu.memref_squeeze %dma_wait3A_153 : memref<1x128xi32, #tpu.memory_space<vmem>> -> memref<128xi32, #tpu.memory_space<vmem>>
          %dma_wait3A_155 = arith.constant 0 : i32
          %dma_wait3A_156 = arith.constant 0 : i32
          %dma_wait3A_157 = tpu.memref_slice %arg13[%dma_wait3A_155, %dma_wait3A_156] : memref<100096x16xf32, #tpu.memory_space<vmem_shared>> -> memref<100096x16xf32, #tpu.memory_space<vmem_shared>>
          tpu.wait_indirect_dma semaphore(%run_scoped3A_145 : memref<!tpu.dma_semaphore, #tpu.memory_space<semaphore_mem>>) src(%arg12 : memref<128x16xf32, #tpu.memory_space<vmem>>) dst(%dma_wait3A_157 : memref<100096x16xf32, #tpu.memory_space<vmem_shared>>)
          tpu.yield
        }) : () -> ()
        %add3A_137 = arith.constant 4 : i32
        %add3A_138 = arith.addi %add3A_130, %add3A_137 : i32
        %dma_start3A_139 = arith.constant 0 : i32
        %dma_start3A_140 = tpu.memref_slice %arg7[%add3A_138, %dma_start3A_139] : memref<32x128xi32, #tpu.memory_space<vmem>> -> memref<1x128xi32, #tpu.memory_space<vmem>>
        %dma_start3A_141 = tpu.memref_squeeze %dma_start3A_140 : memref<1x128xi32, #tpu.memory_space<vmem>> -> memref<128xi32, #tpu.memory_space<vmem>>
        %dma_start3A_142 = arith.constant 0 : i32
        %dma_start3A_143 = arith.constant 0 : i32
        %dma_start3A_144 = tpu.memref_slice %arg2[%dma_start3A_142, %dma_start3A_143] : memref<200192x16xf32, #tpu.memory_space<hbm>> -> memref<200192x16xf32, #tpu.memory_space<hbm>>
        tpu.enqueue_indirect_dma source(%dma_start3A_144 : memref<200192x16xf32, #tpu.memory_space<hbm>>) target(%arg12 : memref<128x16xf32, #tpu.memory_space<vmem>>) offsets(%dma_start3A_141 : memref<128xi32, #tpu.memory_space<vmem>>) semaphore(%arg17 : memref<!tpu.dma_semaphore, #tpu.memory_space<semaphore_mem>>)
      }
      %scan3A_48 = arith.constant 7 : i32
      %dma_wait3A = arith.constant 28 : i32
      %dma_wait3A_49 = arith.constant 0 : i32
      %dma_wait3A_50 = tpu.memref_slice %arg7[%dma_wait3A, %dma_wait3A_49] : memref<32x128xi32, #tpu.memory_space<vmem>> -> memref<1x128xi32, #tpu.memory_space<vmem>>
      %dma_wait3A_51 = tpu.memref_squeeze %dma_wait3A_50 : memref<1x128xi32, #tpu.memory_space<vmem>> -> memref<128xi32, #tpu.memory_space<vmem>>
      %dma_wait3A_52 = arith.constant 0 : i32
      %dma_wait3A_53 = arith.constant 0 : i32
      %dma_wait3A_54 = tpu.memref_slice %arg2[%dma_wait3A_52, %dma_wait3A_53] : memref<200192x16xf32, #tpu.memory_space<hbm>> -> memref<200192x16xf32, #tpu.memory_space<hbm>>
      tpu.wait_indirect_dma semaphore(%arg14 : memref<!tpu.dma_semaphore, #tpu.memory_space<semaphore_mem>>) src(%dma_wait3A_54 : memref<200192x16xf32, #tpu.memory_space<hbm>>) dst(%arg9 : memref<128x16xf32, #tpu.memory_space<vmem>>)
      %run_scoped3A = arith.constant 28 : i32
      "tpu.region"() ({
        %run_scoped3A_79 = tpu.sem_alloc : memref<!tpu.dma_semaphore, #tpu.memory_space<semaphore_mem>>
        %dma_start3A_80 = arith.constant 0 : i32
        %dma_start3A_81 = tpu.memref_slice %arg8[%run_scoped3A, %dma_start3A_80] : memref<32x128xi32, #tpu.memory_space<vmem>> -> memref<1x128xi32, #tpu.memory_space<vmem>>
        %dma_start3A_82 = tpu.memref_squeeze %dma_start3A_81 : memref<1x128xi32, #tpu.memory_space<vmem>> -> memref<128xi32, #tpu.memory_space<vmem>>
        %dma_start3A_83 = arith.constant 0 : i32
        %dma_start3A_84 = arith.constant 0 : i32
        %dma_start3A_85 = tpu.memref_slice %arg13[%dma_start3A_83, %dma_start3A_84] : memref<100096x16xf32, #tpu.memory_space<vmem_shared>> -> memref<100096x16xf32, #tpu.memory_space<vmem_shared>>
        tpu.enqueue_indirect_dma source(%arg9 : memref<128x16xf32, #tpu.memory_space<vmem>>) target(%dma_start3A_85 : memref<100096x16xf32, #tpu.memory_space<vmem_shared>>) offsets(%dma_start3A_82 : memref<128xi32, #tpu.memory_space<vmem>>) semaphore(%run_scoped3A_79 : memref<!tpu.dma_semaphore, #tpu.memory_space<semaphore_mem>>) {add = true}
        %dma_wait3A_86 = arith.constant 0 : i32
        %dma_wait3A_87 = tpu.memref_slice %arg8[%run_scoped3A, %dma_wait3A_86] : memref<32x128xi32, #tpu.memory_space<vmem>> -> memref<1x128xi32, #tpu.memory_space<vmem>>
        %dma_wait3A_88 = tpu.memref_squeeze %dma_wait3A_87 : memref<1x128xi32, #tpu.memory_space<vmem>> -> memref<128xi32, #tpu.memory_space<vmem>>
        %dma_wait3A_89 = arith.constant 0 : i32
        %dma_wait3A_90 = arith.constant 0 : i32
        %dma_wait3A_91 = tpu.memref_slice %arg13[%dma_wait3A_89, %dma_wait3A_90] : memref<100096x16xf32, #tpu.memory_space<vmem_shared>> -> memref<100096x16xf32, #tpu.memory_space<vmem_shared>>
        tpu.wait_indirect_dma semaphore(%run_scoped3A_79 : memref<!tpu.dma_semaphore, #tpu.memory_space<semaphore_mem>>) src(%arg9 : memref<128x16xf32, #tpu.memory_space<vmem>>) dst(%dma_wait3A_91 : memref<100096x16xf32, #tpu.memory_space<vmem_shared>>)
        tpu.yield
      }) : () -> ()
      %dma_wait3A_55 = arith.constant 29 : i32
      %dma_wait3A_56 = arith.constant 0 : i32
      %dma_wait3A_57 = tpu.memref_slice %arg7[%dma_wait3A_55, %dma_wait3A_56] : memref<32x128xi32, #tpu.memory_space<vmem>> -> memref<1x128xi32, #tpu.memory_space<vmem>>
      %dma_wait3A_58 = tpu.memref_squeeze %dma_wait3A_57 : memref<1x128xi32, #tpu.memory_space<vmem>> -> memref<128xi32, #tpu.memory_space<vmem>>
      %dma_wait3A_59 = arith.constant 0 : i32
      %dma_wait3A_60 = arith.constant 0 : i32
      %dma_wait3A_61 = tpu.memref_slice %arg2[%dma_wait3A_59, %dma_wait3A_60] : memref<200192x16xf32, #tpu.memory_space<hbm>> -> memref<200192x16xf32, #tpu.memory_space<hbm>>
      tpu.wait_indirect_dma semaphore(%arg15 : memref<!tpu.dma_semaphore, #tpu.memory_space<semaphore_mem>>) src(%dma_wait3A_61 : memref<200192x16xf32, #tpu.memory_space<hbm>>) dst(%arg10 : memref<128x16xf32, #tpu.memory_space<vmem>>)
      %run_scoped3A_62 = arith.constant 29 : i32
      "tpu.region"() ({
        %run_scoped3A_79 = tpu.sem_alloc : memref<!tpu.dma_semaphore, #tpu.memory_space<semaphore_mem>>
        %dma_start3A_80 = arith.constant 0 : i32
        %dma_start3A_81 = tpu.memref_slice %arg8[%run_scoped3A_62, %dma_start3A_80] : memref<32x128xi32, #tpu.memory_space<vmem>> -> memref<1x128xi32, #tpu.memory_space<vmem>>
        %dma_start3A_82 = tpu.memref_squeeze %dma_start3A_81 : memref<1x128xi32, #tpu.memory_space<vmem>> -> memref<128xi32, #tpu.memory_space<vmem>>
        %dma_start3A_83 = arith.constant 0 : i32
        %dma_start3A_84 = arith.constant 0 : i32
        %dma_start3A_85 = tpu.memref_slice %arg13[%dma_start3A_83, %dma_start3A_84] : memref<100096x16xf32, #tpu.memory_space<vmem_shared>> -> memref<100096x16xf32, #tpu.memory_space<vmem_shared>>
        tpu.enqueue_indirect_dma source(%arg10 : memref<128x16xf32, #tpu.memory_space<vmem>>) target(%dma_start3A_85 : memref<100096x16xf32, #tpu.memory_space<vmem_shared>>) offsets(%dma_start3A_82 : memref<128xi32, #tpu.memory_space<vmem>>) semaphore(%run_scoped3A_79 : memref<!tpu.dma_semaphore, #tpu.memory_space<semaphore_mem>>) {add = true}
        %dma_wait3A_86 = arith.constant 0 : i32
        %dma_wait3A_87 = tpu.memref_slice %arg8[%run_scoped3A_62, %dma_wait3A_86] : memref<32x128xi32, #tpu.memory_space<vmem>> -> memref<1x128xi32, #tpu.memory_space<vmem>>
        %dma_wait3A_88 = tpu.memref_squeeze %dma_wait3A_87 : memref<1x128xi32, #tpu.memory_space<vmem>> -> memref<128xi32, #tpu.memory_space<vmem>>
        %dma_wait3A_89 = arith.constant 0 : i32
        %dma_wait3A_90 = arith.constant 0 : i32
        %dma_wait3A_91 = tpu.memref_slice %arg13[%dma_wait3A_89, %dma_wait3A_90] : memref<100096x16xf32, #tpu.memory_space<vmem_shared>> -> memref<100096x16xf32, #tpu.memory_space<vmem_shared>>
        tpu.wait_indirect_dma semaphore(%run_scoped3A_79 : memref<!tpu.dma_semaphore, #tpu.memory_space<semaphore_mem>>) src(%arg10 : memref<128x16xf32, #tpu.memory_space<vmem>>) dst(%dma_wait3A_91 : memref<100096x16xf32, #tpu.memory_space<vmem_shared>>)
        tpu.yield
      }) : () -> ()
      %dma_wait3A_63 = arith.constant 30 : i32
      %dma_wait3A_64 = arith.constant 0 : i32
      %dma_wait3A_65 = tpu.memref_slice %arg7[%dma_wait3A_63, %dma_wait3A_64] : memref<32x128xi32, #tpu.memory_space<vmem>> -> memref<1x128xi32, #tpu.memory_space<vmem>>
      %dma_wait3A_66 = tpu.memref_squeeze %dma_wait3A_65 : memref<1x128xi32, #tpu.memory_space<vmem>> -> memref<128xi32, #tpu.memory_space<vmem>>
      %dma_wait3A_67 = arith.constant 0 : i32
      %dma_wait3A_68 = arith.constant 0 : i32
      %dma_wait3A_69 = tpu.memref_slice %arg2[%dma_wait3A_67, %dma_wait3A_68] : memref<200192x16xf32, #tpu.memory_space<hbm>> -> memref<200192x16xf32, #tpu.memory_space<hbm>>
      tpu.wait_indirect_dma semaphore(%arg16 : memref<!tpu.dma_semaphore, #tpu.memory_space<semaphore_mem>>) src(%dma_wait3A_69 : memref<200192x16xf32, #tpu.memory_space<hbm>>) dst(%arg11 : memref<128x16xf32, #tpu.memory_space<vmem>>)
      %run_scoped3A_70 = arith.constant 30 : i32
      "tpu.region"() ({
        %run_scoped3A_79 = tpu.sem_alloc : memref<!tpu.dma_semaphore, #tpu.memory_space<semaphore_mem>>
        %dma_start3A_80 = arith.constant 0 : i32
        %dma_start3A_81 = tpu.memref_slice %arg8[%run_scoped3A_70, %dma_start3A_80] : memref<32x128xi32, #tpu.memory_space<vmem>> -> memref<1x128xi32, #tpu.memory_space<vmem>>
        %dma_start3A_82 = tpu.memref_squeeze %dma_start3A_81 : memref<1x128xi32, #tpu.memory_space<vmem>> -> memref<128xi32, #tpu.memory_space<vmem>>
        %dma_start3A_83 = arith.constant 0 : i32
        %dma_start3A_84 = arith.constant 0 : i32
        %dma_start3A_85 = tpu.memref_slice %arg13[%dma_start3A_83, %dma_start3A_84] : memref<100096x16xf32, #tpu.memory_space<vmem_shared>> -> memref<100096x16xf32, #tpu.memory_space<vmem_shared>>
        tpu.enqueue_indirect_dma source(%arg11 : memref<128x16xf32, #tpu.memory_space<vmem>>) target(%dma_start3A_85 : memref<100096x16xf32, #tpu.memory_space<vmem_shared>>) offsets(%dma_start3A_82 : memref<128xi32, #tpu.memory_space<vmem>>) semaphore(%run_scoped3A_79 : memref<!tpu.dma_semaphore, #tpu.memory_space<semaphore_mem>>) {add = true}
        %dma_wait3A_86 = arith.constant 0 : i32
        %dma_wait3A_87 = tpu.memref_slice %arg8[%run_scoped3A_70, %dma_wait3A_86] : memref<32x128xi32, #tpu.memory_space<vmem>> -> memref<1x128xi32, #tpu.memory_space<vmem>>
        %dma_wait3A_88 = tpu.memref_squeeze %dma_wait3A_87 : memref<1x128xi32, #tpu.memory_space<vmem>> -> memref<128xi32, #tpu.memory_space<vmem>>
        %dma_wait3A_89 = arith.constant 0 : i32
        %dma_wait3A_90 = arith.constant 0 : i32
        %dma_wait3A_91 = tpu.memref_slice %arg13[%dma_wait3A_89, %dma_wait3A_90] : memref<100096x16xf32, #tpu.memory_space<vmem_shared>> -> memref<100096x16xf32, #tpu.memory_space<vmem_shared>>
        tpu.wait_indirect_dma semaphore(%run_scoped3A_79 : memref<!tpu.dma_semaphore, #tpu.memory_space<semaphore_mem>>) src(%arg11 : memref<128x16xf32, #tpu.memory_space<vmem>>) dst(%dma_wait3A_91 : memref<100096x16xf32, #tpu.memory_space<vmem_shared>>)
        tpu.yield
      }) : () -> ()
      %dma_wait3A_71 = arith.constant 31 : i32
      %dma_wait3A_72 = arith.constant 0 : i32
      %dma_wait3A_73 = tpu.memref_slice %arg7[%dma_wait3A_71, %dma_wait3A_72] : memref<32x128xi32, #tpu.memory_space<vmem>> -> memref<1x128xi32, #tpu.memory_space<vmem>>
      %dma_wait3A_74 = tpu.memref_squeeze %dma_wait3A_73 : memref<1x128xi32, #tpu.memory_space<vmem>> -> memref<128xi32, #tpu.memory_space<vmem>>
      %dma_wait3A_75 = arith.constant 0 : i32
      %dma_wait3A_76 = arith.constant 0 : i32
      %dma_wait3A_77 = tpu.memref_slice %arg2[%dma_wait3A_75, %dma_wait3A_76] : memref<200192x16xf32, #tpu.memory_space<hbm>> -> memref<200192x16xf32, #tpu.memory_space<hbm>>
      tpu.wait_indirect_dma semaphore(%arg17 : memref<!tpu.dma_semaphore, #tpu.memory_space<semaphore_mem>>) src(%dma_wait3A_77 : memref<200192x16xf32, #tpu.memory_space<hbm>>) dst(%arg12 : memref<128x16xf32, #tpu.memory_space<vmem>>)
      %run_scoped3A_78 = arith.constant 31 : i32
      "tpu.region"() ({
        %run_scoped3A_79 = tpu.sem_alloc : memref<!tpu.dma_semaphore, #tpu.memory_space<semaphore_mem>>
        %dma_start3A_80 = arith.constant 0 : i32
        %dma_start3A_81 = tpu.memref_slice %arg8[%run_scoped3A_78, %dma_start3A_80] : memref<32x128xi32, #tpu.memory_space<vmem>> -> memref<1x128xi32, #tpu.memory_space<vmem>>
        %dma_start3A_82 = tpu.memref_squeeze %dma_start3A_81 : memref<1x128xi32, #tpu.memory_space<vmem>> -> memref<128xi32, #tpu.memory_space<vmem>>
        %dma_start3A_83 = arith.constant 0 : i32
        %dma_start3A_84 = arith.constant 0 : i32
        %dma_start3A_85 = tpu.memref_slice %arg13[%dma_start3A_83, %dma_start3A_84] : memref<100096x16xf32, #tpu.memory_space<vmem_shared>> -> memref<100096x16xf32, #tpu.memory_space<vmem_shared>>
        tpu.enqueue_indirect_dma source(%arg12 : memref<128x16xf32, #tpu.memory_space<vmem>>) target(%dma_start3A_85 : memref<100096x16xf32, #tpu.memory_space<vmem_shared>>) offsets(%dma_start3A_82 : memref<128xi32, #tpu.memory_space<vmem>>) semaphore(%run_scoped3A_79 : memref<!tpu.dma_semaphore, #tpu.memory_space<semaphore_mem>>) {add = true}
        %dma_wait3A_86 = arith.constant 0 : i32
        %dma_wait3A_87 = tpu.memref_slice %arg8[%run_scoped3A_78, %dma_wait3A_86] : memref<32x128xi32, #tpu.memory_space<vmem>> -> memref<1x128xi32, #tpu.memory_space<vmem>>
        %dma_wait3A_88 = tpu.memref_squeeze %dma_wait3A_87 : memref<1x128xi32, #tpu.memory_space<vmem>> -> memref<128xi32, #tpu.memory_space<vmem>>
        %dma_wait3A_89 = arith.constant 0 : i32
        %dma_wait3A_90 = arith.constant 0 : i32
        %dma_wait3A_91 = tpu.memref_slice %arg13[%dma_wait3A_89, %dma_wait3A_90] : memref<100096x16xf32, #tpu.memory_space<vmem_shared>> -> memref<100096x16xf32, #tpu.memory_space<vmem_shared>>
        tpu.wait_indirect_dma semaphore(%run_scoped3A_79 : memref<!tpu.dma_semaphore, #tpu.memory_space<semaphore_mem>>) src(%arg12 : memref<128x16xf32, #tpu.memory_space<vmem>>) dst(%dma_wait3A_91 : memref<100096x16xf32, #tpu.memory_space<vmem_shared>>)
        tpu.yield
      }) : () -> ()
    }
    %scan3A_7 = arith.constant 26 : i32
    %barrier3A_8 = arith.constant 0 : index
    tpu.barrier barrier_id(%barrier3A_8)
    %mul3A_9 = arith.constant 6256 : i32
    %mul3A_10 = arith.muli %arg1, %mul3A_9 : i32
    %mul3A_11 = arith.constant 6256 : i32
    %mul3A_12 = arith.muli %arg1, %mul3A_11 : i32
    "tpu.region"() ({
      %run_scoped3A = tpu.sem_alloc : memref<!tpu.dma_semaphore, #tpu.memory_space<semaphore_mem>>
      %dma_start3A = arith.constant 0 : i32
      %dma_start3A_13 = tpu.memref_slice %arg6[%mul3A_12, %arg0, %dma_start3A] : memref<100096x2x16xf32, #tpu.memory_space<hbm>> -> memref<6256x1x16xf32, #tpu.memory_space<hbm>>
      %dma_start3A_14 = tpu.memref_squeeze %dma_start3A_13 : memref<6256x1x16xf32, #tpu.memory_space<hbm>> -> memref<6256x16xf32, #tpu.memory_space<hbm>>
      %dma_start3A_15 = arith.constant 0 : i32
      %dma_start3A_16 = tpu.memref_slice %arg13[%mul3A_10, %dma_start3A_15] : memref<100096x16xf32, #tpu.memory_space<vmem_shared>> -> memref<6256x16xf32, #tpu.memory_space<vmem_shared>>
      tpu.enqueue_dma source(%dma_start3A_16 : memref<6256x16xf32, #tpu.memory_space<vmem_shared>>) target(%dma_start3A_14 : memref<6256x16xf32, #tpu.memory_space<hbm>>) target_semaphore(%run_scoped3A : memref<!tpu.dma_semaphore, #tpu.memory_space<semaphore_mem>>)
      %dma_wait3A = arith.constant 0 : i32
      %dma_wait3A_17 = tpu.memref_slice %arg6[%mul3A_12, %arg0, %dma_wait3A] : memref<100096x2x16xf32, #tpu.memory_space<hbm>> -> memref<6256x1x16xf32, #tpu.memory_space<hbm>>
      %dma_wait3A_18 = tpu.memref_squeeze %dma_wait3A_17 : memref<6256x1x16xf32, #tpu.memory_space<hbm>> -> memref<6256x16xf32, #tpu.memory_space<hbm>>
      %dma_wait3A_19 = arith.constant 0 : i32
      %dma_wait3A_20 = tpu.memref_slice %arg13[%mul3A_10, %dma_wait3A_19] : memref<100096x16xf32, #tpu.memory_space<vmem_shared>> -> memref<6256x16xf32, #tpu.memory_space<vmem_shared>>
      tpu.wait_dma2 semaphore(%run_scoped3A : memref<!tpu.dma_semaphore, #tpu.memory_space<semaphore_mem>>) src(%dma_wait3A_20 : memref<6256x16xf32, #tpu.memory_space<vmem_shared>>) dst(%dma_wait3A_18 : memref<6256x16xf32, #tpu.memory_space<hbm>>)
      tpu.yield
    }) : () -> ()
    return
  }
}

module attributes {stable_mosaic.version = 14 : i64} {
  func.func @_p1_body(%arg0: i32, %arg1: memref<512x16xf32, #tpu.memory_space<vmem>>, %arg2: memref<16x128xf32, #tpu.memory_space<vmem>>, %arg3: memref<16x512xf32, #tpu.memory_space<vmem>>, %arg4: memref<512x128xf32, #tpu.memory_space<vmem>>, %arg5: memref<512x512xf32, #tpu.memory_space<vmem>>) attributes {dimension_semantics = [#tpu.dimension_semantics<arbitrary>], iteration_bounds = array<i64: 13>, scalar_prefetch = 0 : i64, scratch_operands = 0 : i64, tpu.core_type = #tpu.core_type<tc>, window_params = [{transform_indices = @transform_0, window_bounds = array<i64: 512, 16>}, {pipeline_mode = #tpu.pipeline_mode<synchronous>, transform_indices = @transform_1, window_bounds = array<i64: 16, 128>}, {pipeline_mode = #tpu.pipeline_mode<synchronous>, transform_indices = @transform_2, window_bounds = array<i64: 16, 512>}, {transform_indices = @transform_3, window_bounds = array<i64: 512, 128>}, {transform_indices = @transform_4, window_bounds = array<i64: 512, 512>}]} {
    %get3A = arith.constant 0 : index
    %get3A_0 = arith.constant 0 : index
    %get3A_1 = vector.load %arg1[%get3A, %get3A_0] : memref<512x16xf32, #tpu.memory_space<vmem>>, vector<512x16xf32>
    %get3A_2 = arith.constant 0 : index
    %get3A_3 = arith.constant 0 : index
    %get3A_4 = vector.load %arg2[%get3A_2, %get3A_3] : memref<16x128xf32, #tpu.memory_space<vmem>>, vector<16x128xf32>
    %dot_general3A = arith.constant dense<0.000000e+00> : vector<512x128xf32>
    %dot_general3A_5 = tpu.matmul %get3A_1, %get3A_4, %dot_general3A {dimension_numbers = #tpu.dot_dimension_numbers<[1], [0], [0], [1], [0, 0, 1, 1], [], []>, transpose_lhs_hint = false} : vector<512x16xf32>, vector<16x128xf32>, vector<512x128xf32> -> vector<512x128xf32>
    %swap3A = arith.constant 0 : index
    %swap3A_6 = arith.constant 0 : index
    %swap3A_7 = vector.load %arg4[%swap3A, %swap3A_6] : memref<512x128xf32, #tpu.memory_space<vmem>>, vector<512x128xf32>
    tpu.vector_store %arg4[%swap3A, %swap3A_6], %dot_general3A_5 {strides = array<i32>} : memref<512x128xf32, #tpu.memory_space<vmem>>, vector<512x128xf32>,
    %get3A_8 = arith.constant 0 : index
    %get3A_9 = arith.constant 0 : index
    %get3A_10 = vector.load %arg3[%get3A_8, %get3A_9] : memref<16x512xf32, #tpu.memory_space<vmem>>, vector<16x512xf32>
    %dot_general3A_11 = arith.constant dense<0.000000e+00> : vector<512x512xf32>
    %dot_general3A_12 = tpu.matmul %get3A_1, %get3A_10, %dot_general3A_11 {dimension_numbers = #tpu.dot_dimension_numbers<[1], [0], [0], [1], [0, 0, 1, 1], [], []>, transpose_lhs_hint = false} : vector<512x16xf32>, vector<16x512xf32>, vector<512x512xf32> -> vector<512x512xf32>
    %swap3A_13 = arith.constant 0 : index
    %swap3A_14 = arith.constant 0 : index
    %swap3A_15 = vector.load %arg5[%swap3A_13, %swap3A_14] : memref<512x512xf32, #tpu.memory_space<vmem>>, vector<512x512xf32>
    tpu.vector_store %arg5[%swap3A_13, %swap3A_14], %dot_general3A_12 {strides = array<i32>} : memref<512x512xf32, #tpu.memory_space<vmem>>, vector<512x512xf32>,
    return
  }
  func.func @transform_0(%arg0: i32) -> (i32, i32) {
    %c0_i32 = arith.constant 0 : i32
    %c0_i32_0 = arith.constant 0 : i32
    return %arg0, %c0_i32 : i32, i32
  }
  func.func @transform_1(%arg0: i32) -> (i32, i32) {
    %c0_i32 = arith.constant 0 : i32
    %c0_i32_0 = arith.constant 0 : i32
    %c0_i32_1 = arith.constant 0 : i32
    return %c0_i32, %c0_i32_0 : i32, i32
  }
  func.func @transform_2(%arg0: i32) -> (i32, i32) {
    %c0_i32 = arith.constant 0 : i32
    %c0_i32_0 = arith.constant 0 : i32
    %c0_i32_1 = arith.constant 0 : i32
    return %c0_i32, %c0_i32_0 : i32, i32
  }
  func.func @transform_3(%arg0: i32) -> (i32, i32) {
    %c0_i32 = arith.constant 0 : i32
    %c0_i32_0 = arith.constant 0 : i32
    return %arg0, %c0_i32 : i32, i32
  }
  func.func @transform_4(%arg0: i32) -> (i32, i32) {
    %c0_i32 = arith.constant 0 : i32
    %c0_i32_0 = arith.constant 0 : i32
    return %arg0, %c0_i32 : i32, i32
  }
}

module attributes {stable_mosaic.version = 14 : i64} {
  func.func @_p2_body(%arg0: i32, %arg1: memref<2x512x128xf32, #tpu.memory_space<vmem>>, %arg2: memref<512x128xf32, #tpu.memory_space<vmem>>, %arg3: memref<512x512xf32, #tpu.memory_space<vmem>>, %arg4: memref<128x1024xf32, #tpu.memory_space<vmem>>, %arg5: memref<1x1024xf32, #tpu.memory_space<vmem>>, %arg6: memref<1024x512xf32, #tpu.memory_space<vmem>>, %arg7: memref<512x512xf32, #tpu.memory_space<vmem>>) attributes {dimension_semantics = [#tpu.dimension_semantics<arbitrary>], iteration_bounds = array<i64: 13>, scalar_prefetch = 0 : i64, scratch_operands = 0 : i64, tpu.core_type = #tpu.core_type<tc>, window_params = [{transform_indices = @transform_0, window_bounds = array<i64: 2, 512, 128>}, {transform_indices = @transform_1, window_bounds = array<i64: 512, 128>}, {transform_indices = @transform_2, window_bounds = array<i64: 512, 512>}, {pipeline_mode = #tpu.pipeline_mode<synchronous>, transform_indices = @transform_3, window_bounds = array<i64: 128, 1024>}, {pipeline_mode = #tpu.pipeline_mode<synchronous>, transform_indices = @transform_4, window_bounds = array<i64: 1, 1024>}, {pipeline_mode = #tpu.pipeline_mode<synchronous>, transform_indices = @transform_5, window_bounds = array<i64: 1024, 512>}, {transform_indices = @transform_6, window_bounds = array<i64: 512, 512>}]} {
    %get3A = arith.constant 0 : index
    %get3A_0 = arith.constant 0 : index
    %get3A_1 = arith.constant 0 : index
    %get3A_2 = vector.load %arg1[%get3A, %get3A_0, %get3A_1] : memref<2x512x128xf32, #tpu.memory_space<vmem>>, vector<1x512x128xf32>
    %get3A_3 = vector.shape_cast %get3A_2 : vector<1x512x128xf32> to vector<512x128xf32>
    %get3A_4 = arith.constant 1 : index
    %get3A_5 = arith.constant 0 : index
    %get3A_6 = arith.constant 0 : index
    %get3A_7 = vector.load %arg1[%get3A_4, %get3A_5, %get3A_6] : memref<2x512x128xf32, #tpu.memory_space<vmem>>, vector<1x512x128xf32>
    %get3A_8 = vector.shape_cast %get3A_7 : vector<1x512x128xf32> to vector<512x128xf32>
    %add3A = arith.addf %get3A_3, %get3A_8 : vector<512x128xf32>
    %get3A_9 = arith.constant 0 : index
    %get3A_10 = arith.constant 0 : index
    %get3A_11 = vector.load %arg2[%get3A_9, %get3A_10] : memref<512x128xf32, #tpu.memory_space<vmem>>, vector<512x128xf32>
    %mul3A = arith.mulf %add3A, %get3A_11 : vector<512x128xf32>
    %get3A_12 = arith.constant 0 : index
    %get3A_13 = arith.constant 0 : index
    %get3A_14 = vector.load %arg4[%get3A_12, %get3A_13] : memref<128x1024xf32, #tpu.memory_space<vmem>>, vector<128x1024xf32>
    %dot_general3A = arith.constant dense<0.000000e+00> : vector<512x1024xf32>
    %dot_general3A_15 = tpu.matmul %mul3A, %get3A_14, %dot_general3A {dimension_numbers = #tpu.dot_dimension_numbers<[1], [0], [0], [1], [0, 0, 1, 1], [], []>, transpose_lhs_hint = false} : vector<512x128xf32>, vector<128x1024xf32>, vector<512x1024xf32> -> vector<512x1024xf32>
    %get3A_16 = arith.constant 0 : index
    %get3A_17 = arith.constant 0 : index
    %get3A_18 = vector.load %arg5[%get3A_16, %get3A_17] : memref<1x1024xf32, #tpu.memory_space<vmem>>, vector<1x1024xf32>
    %add3A_19 = vector.broadcast %get3A_18 : vector<1x1024xf32> to vector<512x1024xf32>
    %add3A_20 = arith.addf %dot_general3A_15, %add3A_19 : vector<512x1024xf32>
    %max3A = arith.constant 0.000000e+00 : f32
    %max3A_21 = vector.broadcast %max3A : f32 to vector<512x1024xf32>
    %max3A_22 = arith.maximumf %add3A_20, %max3A_21 : vector<512x1024xf32>
    %get3A_23 = arith.constant 0 : index
    %get3A_24 = arith.constant 0 : index
    %get3A_25 = vector.load %arg6[%get3A_23, %get3A_24] : memref<1024x512xf32, #tpu.memory_space<vmem>>, vector<1024x512xf32>
    %dot_general3A_26 = arith.constant dense<0.000000e+00> : vector<512x512xf32>
    %dot_general3A_27 = tpu.matmul %max3A_22, %get3A_25, %dot_general3A_26 {dimension_numbers = #tpu.dot_dimension_numbers<[1], [0], [0], [1], [0, 0, 1, 1], [], []>, transpose_lhs_hint = false} : vector<512x1024xf32>, vector<1024x512xf32>, vector<512x512xf32> -> vector<512x512xf32>
    %get3A_28 = arith.constant 0 : index
    %get3A_29 = arith.constant 0 : index
    %get3A_30 = vector.load %arg3[%get3A_28, %get3A_29] : memref<512x512xf32, #tpu.memory_space<vmem>>, vector<512x512xf32>
    %mul3A_31 = arith.mulf %dot_general3A_27, %get3A_30 : vector<512x512xf32>
    %swap3A = arith.constant 0 : index
    %swap3A_32 = arith.constant 0 : index
    %swap3A_33 = vector.load %arg7[%swap3A, %swap3A_32] : memref<512x512xf32, #tpu.memory_space<vmem>>, vector<512x512xf32>
    tpu.vector_store %arg7[%swap3A, %swap3A_32], %mul3A_31 {strides = array<i32>} : memref<512x512xf32, #tpu.memory_space<vmem>>, vector<512x512xf32>,
    return
  }
  func.func @transform_0(%arg0: i32) -> (i32, i32, i32) {
    %c0_i32 = arith.constant 0 : i32
    %c0_i32_0 = arith.constant 0 : i32
    %c0_i32_1 = arith.constant 0 : i32
    return %c0_i32, %arg0, %c0_i32_0 : i32, i32, i32
  }
  func.func @transform_1(%arg0: i32) -> (i32, i32) {
    %c0_i32 = arith.constant 0 : i32
    %c0_i32_0 = arith.constant 0 : i32
    return %arg0, %c0_i32 : i32, i32
  }
  func.func @transform_2(%arg0: i32) -> (i32, i32) {
    %c0_i32 = arith.constant 0 : i32
    %c0_i32_0 = arith.constant 0 : i32
    return %arg0, %c0_i32 : i32, i32
  }
  func.func @transform_3(%arg0: i32) -> (i32, i32) {
    %c0_i32 = arith.constant 0 : i32
    %c0_i32_0 = arith.constant 0 : i32
    %c0_i32_1 = arith.constant 0 : i32
    return %c0_i32, %c0_i32_0 : i32, i32
  }
  func.func @transform_4(%arg0: i32) -> (i32, i32) {
    %c0_i32 = arith.constant 0 : i32
    %c0_i32_0 = arith.constant 0 : i32
    %c0_i32_1 = arith.constant 0 : i32
    return %c0_i32, %c0_i32_0 : i32, i32
  }
  func.func @transform_5(%arg0: i32) -> (i32, i32) {
    %c0_i32 = arith.constant 0 : i32
    %c0_i32_0 = arith.constant 0 : i32
    %c0_i32_1 = arith.constant 0 : i32
    return %c0_i32, %c0_i32_0 : i32, i32
  }
  func.func @transform_6(%arg0: i32) -> (i32, i32) {
    %c0_i32 = arith.constant 0 : i32
    %c0_i32_0 = arith.constant 0 : i32
    return %arg0, %c0_i32 : i32, i32
  }
}

module attributes {stable_mosaic.version = 14 : i64} {
  func.func @_p3_body(%arg0: i32, %arg1: memref<1000x128xf32, #tpu.memory_space<vmem>>, %arg2: memref<1000x128xf32, #tpu.memory_space<vmem>>, %arg3: memref<1x128xf32, #tpu.memory_space<vmem>>, %arg4: memref<128x8xf32, #tpu.memory_space<vmem>>, %arg5: memref<1x8xf32, #tpu.memory_space<vmem>>, %arg6: memref<8x8xf32, #tpu.memory_space<vmem>>, %arg7: memref<1000x8xf32, #tpu.memory_space<vmem>>) attributes {dimension_semantics = [#tpu.dimension_semantics<arbitrary>], iteration_bounds = array<i64: 25>, scalar_prefetch = 0 : i64, scratch_operands = 0 : i64, tpu.core_type = #tpu.core_type<tc>, window_params = [{transform_indices = @transform_0, window_bounds = array<i64: 1000, 128>}, {transform_indices = @transform_1, window_bounds = array<i64: 1000, 128>}, {pipeline_mode = #tpu.pipeline_mode<synchronous>, transform_indices = @transform_2, window_bounds = array<i64: 1, 128>}, {pipeline_mode = #tpu.pipeline_mode<synchronous>, transform_indices = @transform_3, window_bounds = array<i64: 128, 8>}, {pipeline_mode = #tpu.pipeline_mode<synchronous>, transform_indices = @transform_4, window_bounds = array<i64: 1, 8>}, {pipeline_mode = #tpu.pipeline_mode<synchronous>, transform_indices = @transform_5, window_bounds = array<i64: 8, 8>}, {transform_indices = @transform_6, window_bounds = array<i64: 1000, 8>}]} {
    %get3A = arith.constant 0 : index
    %get3A_0 = arith.constant 0 : index
    %get3A_1 = vector.load %arg1[%get3A, %get3A_0] : memref<1000x128xf32, #tpu.memory_space<vmem>>, vector<1000x128xf32>
    %get3A_2 = arith.constant 0 : index
    %get3A_3 = arith.constant 0 : index
    %get3A_4 = vector.load %arg2[%get3A_2, %get3A_3] : memref<1000x128xf32, #tpu.memory_space<vmem>>, vector<1000x128xf32>
    %mul3A = arith.mulf %get3A_1, %get3A_4 : vector<1000x128xf32>
    %get3A_5 = arith.constant 0 : index
    %get3A_6 = arith.constant 0 : index
    %get3A_7 = vector.load %arg3[%get3A_5, %get3A_6] : memref<1x128xf32, #tpu.memory_space<vmem>>, vector<1x128xf32>
    %add3A = vector.broadcast %get3A_7 : vector<1x128xf32> to vector<1000x128xf32>
    %add3A_8 = arith.addf %mul3A, %add3A : vector<1000x128xf32>
    %max3A = arith.constant 0.000000e+00 : f32
    %max3A_9 = vector.broadcast %max3A : f32 to vector<1000x128xf32>
    %max3A_10 = arith.maximumf %add3A_8, %max3A_9 : vector<1000x128xf32>
    %get3A_11 = arith.constant 0 : index
    %get3A_12 = arith.constant 0 : index
    %get3A_13 = vector.load %arg4[%get3A_11, %get3A_12] : memref<128x8xf32, #tpu.memory_space<vmem>>, vector<128x8xf32>
    %dot_general3A = arith.constant dense<0.000000e+00> : vector<1000x8xf32>
    %dot_general3A_14 = tpu.matmul %max3A_10, %get3A_13, %dot_general3A {dimension_numbers = #tpu.dot_dimension_numbers<[1], [0], [0], [1], [0, 0, 1, 1], [], []>, transpose_lhs_hint = false} : vector<1000x128xf32>, vector<128x8xf32>, vector<1000x8xf32> -> vector<1000x8xf32>
    %get3A_15 = arith.constant 0 : index
    %get3A_16 = arith.constant 0 : index
    %get3A_17 = vector.load %arg5[%get3A_15, %get3A_16] : memref<1x8xf32, #tpu.memory_space<vmem>>, vector<1x8xf32>
    %add3A_18 = vector.broadcast %get3A_17 : vector<1x8xf32> to vector<1000x8xf32>
    %add3A_19 = arith.addf %dot_general3A_14, %add3A_18 : vector<1000x8xf32>
    %get3A_20 = arith.constant 0 : index
    %get3A_21 = arith.constant 0 : index
    %get3A_22 = vector.load %arg6[%get3A_20, %get3A_21] : memref<8x8xf32, #tpu.memory_space<vmem>>, vector<8x8xf32>
    %dot_general3A_23 = arith.constant dense<0.000000e+00> : vector<1000x8xf32>
    %dot_general3A_24 = tpu.matmul %add3A_19, %get3A_22, %dot_general3A_23 {dimension_numbers = #tpu.dot_dimension_numbers<[1], [0], [0], [1], [0, 0, 1, 1], [], []>, transpose_lhs_hint = false} : vector<1000x8xf32>, vector<8x8xf32>, vector<1000x8xf32> -> vector<1000x8xf32>
    %max3A_25 = arith.maximumf %add3A_19, %dot_general3A_24 : vector<1000x8xf32>
    %sub3A = arith.subf %add3A_19, %max3A_25 : vector<1000x8xf32>
    %exp3A = math.exp %sub3A : vector<1000x8xf32>
    %sub3A_26 = arith.subf %dot_general3A_24, %max3A_25 : vector<1000x8xf32>
    %exp3A_27 = math.exp %sub3A_26 : vector<1000x8xf32>
    %add3A_28 = arith.addf %exp3A, %exp3A_27 : vector<1000x8xf32>
    %log3A = math.log %add3A_28 : vector<1000x8xf32>
    %add3A_29 = arith.addf %log3A, %max3A_25 : vector<1000x8xf32>
    %sub3A_30 = arith.subf %add3A_19, %add3A_29 : vector<1000x8xf32>
    %swap3A = arith.constant 0 : index
    %swap3A_31 = arith.constant 0 : index
    %swap3A_32 = vector.load %arg7[%swap3A, %swap3A_31] : memref<1000x8xf32, #tpu.memory_space<vmem>>, vector<1000x8xf32>
    tpu.vector_store %arg7[%swap3A, %swap3A_31], %sub3A_30 {strides = array<i32>} : memref<1000x8xf32, #tpu.memory_space<vmem>>, vector<1000x8xf32>,
    return
  }
  func.func @transform_0(%arg0: i32) -> (i32, i32) {
    %c0_i32 = arith.constant 0 : i32
    %c0_i32_0 = arith.constant 0 : i32
    return %arg0, %c0_i32 : i32, i32
  }
  func.func @transform_1(%arg0: i32) -> (i32, i32) {
    %c0_i32 = arith.constant 0 : i32
    %c0_i32_0 = arith.constant 0 : i32
    return %arg0, %c0_i32 : i32, i32
  }
  func.func @transform_2(%arg0: i32) -> (i32, i32) {
    %c0_i32 = arith.constant 0 : i32
    %c0_i32_0 = arith.constant 0 : i32
    %c0_i32_1 = arith.constant 0 : i32
    return %c0_i32, %c0_i32_0 : i32, i32
  }
  func.func @transform_3(%arg0: i32) -> (i32, i32) {
    %c0_i32 = arith.constant 0 : i32
    %c0_i32_0 = arith.constant 0 : i32
    %c0_i32_1 = arith.constant 0 : i32
    return %c0_i32, %c0_i32_0 : i32, i32
  }
  func.func @transform_4(%arg0: i32) -> (i32, i32) {
    %c0_i32 = arith.constant 0 : i32
    %c0_i32_0 = arith.constant 0 : i32
    %c0_i32_1 = arith.constant 0 : i32
    return %c0_i32, %c0_i32_0 : i32, i32
  }
  func.func @transform_5(%arg0: i32) -> (i32, i32) {
    %c0_i32 = arith.constant 0 : i32
    %c0_i32_0 = arith.constant 0 : i32
    %c0_i32_1 = arith.constant 0 : i32
    return %c0_i32, %c0_i32_0 : i32, i32
  }
  func.func @transform_6(%arg0: i32) -> (i32, i32) {
    %c0_i32 = arith.constant 0 : i32
    %c0_i32_0 = arith.constant 0 : i32
    return %arg0, %c0_i32 : i32, i32
  }
}

</mosaic_0001>

<sc_bundles>
// kernel: kernel.11.cloned.1.call-start
scs
__scs_entry_jumppad:
0x0: {  	(pc) =	sbr.rel $0x88, $3  }
0x1: {  	(tag) =	ssettag $0x0;
	lr =	simm.s32 $0x1  }
0x2: {  	[smem:$0x3F99] =	sst lr;
	_ =	strace $0xD0000000  }
0x3: {  	_ = 	snop  }
0x4: {  	_ = 	snop  }
0x5: {  	_ = 	snop  }
0x6: {  	_ = 	snop  }
0x7: {  	_ = 	snop  }
__scs_overlays_trampoline_lowered:
0x8: {  	[smem:$0x3FA8] =	sst s0  }
0x9: {  	[smem:$0x3FA9] =	sst s1  }
0xa: {  	[smem:$0x3FAA] =	sst s2  }
0xb: {  	[smem:$0x3FAB] =	sst s3  }
0xc: {  	[smem:$0x3FAC] =	sst s4  }
0xd: {  	[smem:$0x3FAD] =	sst s5  }
0xe: {  	[smem:$0x3FAE] =	sst s6  }
0xf: {  	[smem:$0x3FAF] =	sst s7  }
0x10: {  	[smem:$0x3FB0] =	sst s8  }
0x11: {  	[smem:$0x3FB1] =	sst s9;
	s0 =	simm.s32 @!p0 $0x0  }
0x12: {  	s1 =	sld [smem:$0x3F97];
	s0 =	simm.s32 @p0 $0x1  }
0x13: {  	[smem:$0x3FB2] =	sst s0;
	s0 =	simm.s32 @!p1 $0x0  }
0x14: {  	s2 =	sld [smem:$0x3F96];
	s0 =	simm.s32 @p1 $0x1  }
0x15: {  	[smem:$0x3FB3] =	sst s0;
	s0 =	simm.s32 @!p2 $0x0  }
0x16: {  	s3 =	sld [smem:$0x3FDB];
	s0 =	simm.s32 @p2 $0x1  }
0x17: {  	s4 =	simm.s32 $0x1BF5;
	[smem:$0x3FB5] =	sst s0  }
0x18: {  	s0 =	sld [smem:$0x3F98];
	_ =	swait.ge [sflag:s4], $0x0  }
0x19: {  	s7 =	sld [smem:$0x3F99]  }
0x1a: {  	s8 =	sadd.s32 $0xFFFFE003, lr  }
0x1b: {  	s9 =	sadd.s32 $0xFFFFFEF7, lr;
	s5 =	simm.s32 $0xFFFFFFFF;
	p2 =	slt.u32 s8, $0xFFFFF086  }
0x1c: {  	p1 =	slt.u32 s9, $0xF7A;
	s5 =	simm.s32 @!p2 $0x0  }
0x1d: {  	s5 =	simm.s32 @p1 $0x1;
	p0 =	seq.s32 s7, s2  }
0x1e: {  	s7 =	smul.u32 @!p0 $0xF7A, s2;
	p2 =	seq.s32 @!p0 s5, $0x0  }
0x1f: {  	s9 =	smul.u32 $0xF7A, s1;
	s8 =	simm.s32 @!p0 $0x1BF5;
	p2 =	por !p2, p0  }
0x20: {  	[sflag:s8] =	ssyncset.s32 @!p0 $0xFFFFF086;
	s6 =	sadd.s32 @!p0 s3, s7;
	s7 =	simm.s32 @!p0 $0x108  }
0x21: {  	s3 =	sadd.s32 s3, s9;
	s6 =	sadd.s32 @!p0 $0x88, s6;
	s7 =	simm.s32 @p2 $0x1082  }
0x22: {  	[simem:s7], [sflag:s8] =	dma.local @!p0 [hbm:s6], $0xF7A  }
0x23: {  	s9 =	sor.u32 $0xD0000000, s2;
	s6 =	simm.s32 $0x108;
	_ =	swait.ge @!p0 [sflag:s8], $0x0  }
0x24: {  	s3 =	sadd.s32 $0x88, s3;
	s6 =	simm.s32 @!p1 $0x1082;
	[sflag:s4] =	ssyncset.s32 $0xFFFFF086  }
0x25: {  	[simem:s6], [sflag:s4] =	dma.local [hbm:s3], $0xF7A  }
0x26: {  	[smem:$0x3F99] =	sst s1;
	(tag) =	ssettag s2;
	_ =	strace s9  }
0x27: {  	s1 =	sld [smem:$0x3FA9]  }
0x28: {  	s2 =	sld [smem:$0x3FAA]  }
0x29: {  	s4 =	sld [smem:$0x3FAC]  }
0x2a: {  	p0 =	seq.s32 s5, $0x0;
	s5 =	sld [smem:$0x3FAD]  }
0x2b: {  	s6 =	sld [smem:$0x3FAE]  }
0x2c: {  	s7 =	sld [smem:$0x3FAF]  }
0x2d: {  	s3 =	simm.s32 $0x108;
	s8 =	sld [smem:$0x3FB0]  }
0x2e: {  	s3 =	simm.s32 @!p0 $0x1082;
	s9 =	sld [smem:$0x3FB1]  }
0x2f: {  	lr =	sadd.s32 s0, s3;
	s0 =	sld [smem:$0x3FA8]  }
0x30: {  	s3 =	sld [smem:$0x3FAB]  }
0x31: {  	[smem:$0x3FB4] =	sst s10  }
0x32: {  	s10 =	sld [smem:$0x3FB2];
	_ =	sdelay $0x3  }
0x33: {  	p0 =	seq.s32 s10, $0x1;
	s10 =	sld [smem:$0x3FB4];
	_ =	sdelay $0x3  }
0x34: {  	[smem:$0x3FB4] =	sst s10  }
0x35: {  	s10 =	sld [smem:$0x3FB3];
	_ =	sdelay $0x3  }
0x36: {  	p1 =	seq.s32 s10, $0x1;
	s10 =	sld [smem:$0x3FB4];
	_ =	sdelay $0x3  }
0x37: {  	[smem:$0x3FB4] =	sst s10  }
0x38: {  	s10 =	sld [smem:$0x3FB5]  }
0x39: {  	_ = 	snop;
	(pc) =	sbr.ind lr, $3  }
0x3a: {  	_ = 	snop  }
0x3b: {  	_ = 	snop  }
0x3c: {  	p2 =	seq.s32 s10, $0x1;
	s10 =	sld [smem:$0x3FB4]  }
0x3d: {  	_ =	shalt  }
0x3e: {  	_ =	shalt  }
0x3f: {  	_ =	shalt  }
0x40: {  	_ =	shalt  }
0x41: {  	_ =	shalt  }
0x42: {  	_ =	shalt  }
0x43: {  	_ =	shalt  }
0x44: {  	_ =	shalt  }
0x45: {  	_ =	shalt  }
0x46: {  	_ =	shalt  }
0x47: {  	_ =	shalt  }
0x48: {  	_ =	shalt  }
0x49: {  	_ =	shalt  }
0x4a: {  	_ =	shalt  }
0x4b: {  	_ =	shalt  }
0x4c: {  	_ =	shalt  }
0x4d: {  	_ =	shalt  }
0x4e: {  	_ =	shalt  }
0x4f: {  	_ =	shalt  }
0x50: {  	_ =	shalt  }
0x51: {  	_ =	shalt  }
0x52: {  	_ =	shalt  }
0x53: {  	_ =	shalt  }
0x54: {  	_ =	shalt  }
0x55: {  	_ =	shalt  }
0x56: {  	_ =	shalt  }
0x57: {  	_ =	shalt  }
0x58: {  	_ =	shalt  }
0x59: {  	_ =	shalt  }
0x5a: {  	_ =	shalt  }
0x5b: {  	_ =	shalt  }
0x5c: {  	_ =	shalt  }
0x5d: {  	_ =	shalt  }
0x5e: {  	_ =	shalt  }
0x5f: {  	_ =	shalt  }
0x60: {  	_ =	shalt  }
0x61: {  	_ =	shalt  }
0x62: {  	_ =	shalt  }
0x63: {  	_ =	shalt  }
0x64: {  	_ =	shalt  }
0x65: {  	_ =	shalt  }
0x66: {  	_ =	shalt  }
0x67: {  	_ =	shalt  }
0x68: {  	_ =	shalt  }
0x69: {  	_ =	shalt  }
0x6a: {  	_ =	shalt  }
0x6b: {  	_ =	shalt  }
0x6c: {  	_ =	shalt  }
0x6d: {  	_ =	shalt  }
0x6e: {  	_ =	shalt  }
0x6f: {  	_ =	shalt  }
0x70: {  	_ =	shalt  }
0x71: {  	_ =	shalt  }
0x72: {  	_ =	shalt  }
0x73: {  	_ =	shalt  }
0x74: {  	_ =	shalt  }
0x75: {  	_ =	shalt  }
0x76: {  	_ =	shalt  }
0x77: {  	_ =	shalt  }
0x78: {  	_ =	shalt  }
0x79: {  	_ =	shalt  }
0x7a: {  	_ =	shalt  }
0x7b: {  	_ =	shalt  }
0x7c: {  	_ =	shalt  }
0x7d: {  	_ =	shalt  }
0x7e: {  	_ =	shalt  }
0x7f: {  	_ =	shalt  }
0x80: {  	_ =	shalt  }
0x81: {  	_ =	shalt  }
0x82: {  	_ =	shalt  }
0x83: {  	_ =	shalt  }
0x84: {  	_ =	shalt  }
0x85: {  	_ =	shalt  }
0x86: {  	_ =	shalt  }
0x87: {  	_ =	shalt  }
.Lfunc_end0:
.L_simem_size_0:
called_computation.1_lowered:
.L_overlay_start_0:
0x88: {  	s2 =	sld [smem:$0x3FD9]  }
0x89: {  	s3 =	sld [smem:$0x3FFE];
	_ =	sdelay $0x1  }
0x8a: {  	s1 =	srdreg.scid  }
0x8b: {  	s0 =	sand.u32 $0x1, s1  }
0x8c: {  	s16 =	sshll.u32 s0, $0xA;
	s2 =	sadd.s32 s3, s2  }
0x8d: {  	s2 =	sadd.s32 s2, s16  }
0x8e: {  	[smem:$0x3FC0] =	sst s2  }
0x8f: {  	_ = 	snop  }
0x90: {  	(tm) =	ssettm $0x1  }
0x91: {  	s17 =	sld [smem:$0x3FFB];
	_ =	sdelay $0x3  }
0x92: {  	_ =	strace s17  }
0x93: {  	s2 =	sld [smem:$0x3FFC];
	_ =	sdelay $0x3  }
0x94: {  	_ =	strace s2  }
0x95: {  	s2 =	sld [smem:$0x3FFD];
	_ =	sdelay $0x3  }
0x96: {  	_ =	strace s2  }
0x97: {  	_ =	strace $0x8FFFFFFF  }
0x98: {  	s18 =	sld [smem:$0x3FDB];
	_ =	sdelay $0x1  }
0x99: {  	s19 =	simm.s32 $_scs_section_size  }
0x9a: {  	s4 =	simm.s32 $_size__tile_overlayer_lowered;
	s5 =	simm.s32 $_tile_overlayer_lowered  }
0x9b: {  	s22 =	simm.s32 $0x1BFF;
	s21 =	sshll.u32 s5, $0x1;
	s2 =	sadd.s32 s19, s18  }
0x9c: {  	s6 =	simm.s32 $0x0;
	s20 =	sshll.u32 s4, $0x1;
	s4 =	sadd.s32 s21, s2  }
0x9d: {  	[timem:s6], [sflag:s22] =	dma.local [hbm:s4], s20  }
0x9e: {  	_ =	swait.ge [sflag:s22], s20  }
0x9f: {  	s3 =	ssub.s32 $0x0, s20;
	[sflag:s22] =	ssyncset.done $0x0  }
0xa0: {  	[sflag:s22] =	ssyncadd.s32 s3;
	_ =	sdelay $0x1  }
0xa1: {  	s23 =	simm.s32 $0x1B8B  }
0xa2: {  	_ =	swait.ge [sflag:s23], $0x1  }
0xa3: {  	[sflag:s23] =	ssyncset.done $0x0  }
0xa4: {  	s25 =	simm.s32 $0x1B8E;
	s24 =	sld [smem:$0x3FFE];
	[sflag:s23] =	ssyncadd.s32 $0xFFFFFFFF  }
0xa5: {  	s26 =	simm.s32 $execute0_lowered;
	[smem:$0x3FD2] =	sst s25  }
0xa6: {  	s4 =	sshll.u32 s26, $0x1;
	_ =	strace $0x80000049;
	[dreg:$0x1] =	wrdreg $0xFFFFFFFF  }
0xa7: {  	s28 =	simm.s32 $_size_execute0_lowered;
	s2 =	sadd.s32 s2, s4;
	[dreg:$0x0] =	wrdreg $0x0  }
0xa8: {  	s4 =	sshll.u32 s28, $0x1;
	[dreg:$0x2] =	wrdreg s2  }
0xa9: {  	[dreg:$0x3] =	wrdreg s4  }
0xaa: {  	[dreg:$0x4] =	wrdreg $0xC0  }
0xab: {  	_ =	task [dreg:s6], $0x5FFFF  }
0xac: {  	[dreg:$0x1] =	wrdreg $0xFFFFFFFF  }
0xad: {  	[dreg:$0x0] =	wrdreg $0x60  }
0xae: {  	[dreg:$0x2] =	wrdreg s24  }
0xaf: {  	[dreg:$0x3] =	wrdreg $0x30000  }
0xb0: {  	[dreg:$0x4] =	wrdreg $0x9  }
0xb1: {  	_ =	task.clear_ibuf [dreg:s6], $0x5FFFF;
	_ =	strace $0x90000049  }
0xb2: {  	s29 =	simm.s32 $0x9;
	_ =	strace $0x8000004B  }
0xb3: {  	_ =	swait.ge [sflag:s29], $0x1  }
0xb4: {  	[sflag:s29] =	ssyncadd.s32 $0xFFFFFFFF  }
0xb5: {  	_ =	strace $0x9000004B  }
0xb6: {  	_ =	sfence  }
0xb7: {  	s30 =	sld [smem:$0x0];
	_ =	sdelay $0x2  }
0xb8: {  	s31 =	sshll.u32 s1, $0xD;
	s1 =	sshrl.u32 s1, $0x2  }
0xb9: {  	s3 =	sand.u32 $0x4000, s31;
	s1 =	sadd.s32 s1, s30  }
0xba: {  	s0 =	sor.u32 s3, s0;
	s1 =	sshll.u32 s1, $0x11  }
0xbb: {  	s0 =	sor.u32 s1, s0  }
0xbc: {  	s0 =	sadd.s32 $0x8F2B, s0  }
0xbd: {  	[sflag:s0] =	ssyncadd.remote.s32 $0x1  }
0xbe: {  	_ =	sfence.sel $0xFFFF  }
0xbf: {  	[dreg:$0x0] =	wrdreg $0xFFFFFFFF;
	(pc) =	sbr.abs _section_cstart, $3  }
0xc0: {  	[dreg:$0x1] =	wrdreg $0xFFFFFFFF  }
0xc1: {  	_ =	task.clear_ibuf [dreg:s6], $0x2FFFF;
	_ =	strace $0x9FFFFFFF  }
0xc2: {  	(tm) =	ssettm $0x7FFFFFFF  }
0xc3: {  	_ =	shalt  }
tec
execute0_lowered:
.L_overlay_start_1:
0x0: {  	(tag) =	ssettag $0x1  }
0x1: {  	s0 =	rddreg [dreg:$0x0]  }
0x2: {  	s2 =	rddreg [dreg:$0x1]  }
0x3: {  	s12 =	stileid.u32;
	s1 =	srdreg.scid  }
0x4: {  	s3 =	simm.s32 $0x0;
	s13 =	simm.s32 $0x5;
	s14 =	simm.s32 $0x1000  }
0x5: {  	s15 =	simm.s32 $0x80;
	s16 =	simm.s32 $0x2000;
	s17 =	simm.s32 $0x2400  }
0x6: {  	s18 =	simm.s32 $0x100;
	s19 =	simm.s32 $0x2800;
	s20 =	simm.s32 $0x180  }
0x7: {  	s21 =	simm.s32 $0x2C00;
	s22 =	simm.s32 $0x1;
	s23 =	simm.s32 $0x2  }
0x8: {  	s28 =	simm.s32 $0x1E80;
	s29 =	simm.s32 $0x1F00;
	s30 =	simm.s32 $0x1F80  }
0x9: {  	s7 =	smul.u32 $0xC380, s12;
	s1 =	sand.u32 $0x1, s1;
	[smem:$0x7FF] =	sst s3  }
0xa: {  	s4 =	sadd.s32 $0x37400, s0;
	s5 =	sadd.s32 $0x1C5000, s0;
	s6 =	sadd.s32 $0x3400, s0  }
0xb: {  	s25 =	sshll.u32 s12, $0x6;
	s8 =	smul.u32 $0xC3800, s1;
	_ =	strace $0x8000004A  }
0xc: {  	s10 =	ssub.s32 $0x2, s1;
	s1 =	sshll.u32 s1, $0x4;
	s9 =	sshrl.u32 s7, $0x3  }
0xd: {  	s24 =	sshrl.u32 s10, $0x1;
	s1 =	sor.u32 s12, s1;
	s26 =	sadd.s32 s7, s2  }
0xe: {  	s8 =	sadd.s32 s7, s8;
	s9 =	sadd.s32 s9, s0;
	s11 =	ssub.s32 s10, s24  }
0xf: {  	s12 =	sshrl.u32 s26, $0x3;
	s24 =	simm.s32 $0x3;
	s26 =	simm.s32 $0x1E00  }
0x10: {  	s8 =	sshrl.u32 s8, $0x3;
	s31 =	sadd.s32 $0x4FC00, s9;
	s9 =	smul.u32 $0xD000, s1  }
0x11: {  	s11 =	smax.u32 s11, $0x1;
	s0 =	sadd.s32 s8, s0;
	[dreg:$0x3] =	wrdreg s31  }
0x12: {  	s8 =	sor.u32 $0x1C05, s25;
	s25 =	simm.s32 $0x4;
	s10 =	sadd.s32 $0x68400, s0  }
.LBB2_1:
0x13: {  	s0 =	rddreg [dreg:$0x3]  }
0x14: {  	[spmem:s12], [sflag:s8] =	dma.local [hbm:s0], $0x1870  }
0x15: {  	_ =	swait.ge [sflag:s13], $0x1870  }
0x16: {  	[sflag:s13] =	ssyncset.done $0x0  }
0x17: {  	[sflag:s13] =	ssyncadd.s32 $0xFFFFE790  }
0x18: {  	s31 =	simm.s32 $0x0;
	[bflag:$0x0] =	sbarrier.arrive $0xFFFF  }
.LBB2_2:
0x19: {  	s0 =	sshll.u32 s31, $0xC  }
0x1a: {  	s0 =	sadd.s32 s9, s0  }
0x1b: {  	s0 =	sshrl.u32 s0, $0x3  }
0x1c: {  	s7 =	simm.s32 $0x0;
	s1 =	sadd.s32 s5, s0  }
0x1d: {  	[tilespmem:s7], [sflag:$0x5] =	stream.linear.gather [hbm4b:s1+s7], $0x1000, $0x38;
	[tilespmem:$0xF380] =	vst v63  }
0x1e: {  	_ =	swait.ge [sflag:s13], $0x1000  }
0x1f: {  	[sflag:s13] =	ssyncset.done $0x0  }
0x20: {  	s0 =	sadd.s32 s6, s0;
	[sflag:s13] =	ssyncadd.s32 $0xFFFFF000  }
0x21: {  	[tilespmem:s14], [sflag:$0x5] =	stream.linear.gather [hbm4b:s0+s7], $0x1000, $0x38;
	[tilespmem:$0xF380] =	vst v63  }
0x22: {  	_ =	swait.ge [sflag:s13], $0x1000  }
0x23: {  	[sflag:s13] =	ssyncset.done $0x0  }
0x24: {  	[sflag:s13] =	ssyncadd.s32 $0xFFFFF000  }
0x25: {  	[tilespmem:s16], [sflag:$0x1] =	stream.indirect.gather [hbm4b:s4+s15], $0x8, s7, s15, $0xb8;
	[tilespmem:$0xF380] =	vst v63  }
0x26: {  	_ = 	snop  }
0x27: {  	[tilespmem:s17], [sflag:$0x2] =	stream.indirect.gather [hbm4b:s4+s15], $0x8, s15, s15, $0xb8;
	[tilespmem:$0xF380] =	vst v63  }
0x28: {  	_ = 	snop  }
0x29: {  	[tilespmem:s19], [sflag:$0x3] =	stream.indirect.gather [hbm4b:s4+s15], $0x8, s18, s15, $0xb8;
	[tilespmem:$0xF380] =	vst v63  }
0x2a: {  	_ = 	snop  }
0x2b: {  	[tilespmem:s21], [sflag:$0x4] =	stream.indirect.gather [hbm4b:s4+s15], $0x8, s20, s15, $0xb8;
	[tilespmem:$0xF380] =	vst v63  }
0x2c: {  	_ =	swait.ge [sflag:s22], $0x400  }
0x2d: {  	[sflag:s22] =	ssyncset.done $0x0  }
0x2e: {  	s7 =	simm.s32 $0x1000;
	[sflag:s22] =	ssyncadd.s32 $0xFFFFFC00  }
0x2f: {  	[spmem:s2] =	stream.indirect.scatter.add.f32 [tilespmem:s16], [sflag:$0x5], $0x8, s7, s15, $0xb8;
	[tilespmem:$0xF380] =	vst v63  }
0x30: {  	_ =	swait.ge [sflag:s13], $0x400  }
0x31: {  	[sflag:s13] =	ssyncset.done $0x0  }
0x32: {  	s1 =	simm.s32 $0x200;
	[sflag:s13] =	ssyncadd.s32 $0xFFFFFC00  }
0x33: {  	[tilespmem:s16], [sflag:$0x1] =	stream.indirect.gather [hbm4b:s4+s15], $0x8, s1, s15, $0xb8;
	[tilespmem:$0xF380] =	vst v63  }
0x34: {  	_ =	swait.ge [sflag:s23], $0x400  }
0x35: {  	[sflag:s23] =	ssyncset.done $0x0  }
0x36: {  	s7 =	simm.s32 $0x1080;
	[sflag:s23] =	ssyncadd.s32 $0xFFFFFC00  }
0x37: {  	[spmem:s2] =	stream.indirect.scatter.add.f32 [tilespmem:s17], [sflag:$0x5], $0x8, s7, s15, $0xb8;
	[tilespmem:$0xF380] =	vst v63  }
0x38: {  	_ =	swait.ge [sflag:s13], $0x400  }
0x39: {  	[sflag:s13] =	ssyncset.done $0x0  }
0x3a: {  	s1 =	simm.s32 $0x280;
	[sflag:s13] =	ssyncadd.s32 $0xFFFFFC00  }
0x3b: {  	[tilespmem:s17], [sflag:$0x2] =	stream.indirect.gather [hbm4b:s4+s15], $0x8, s1, s15, $0xb8;
	[tilespmem:$0xF380] =	vst v63  }
0x3c: {  	_ =	swait.ge [sflag:s24], $0x400  }
0x3d: {  	[sflag:s24] =	ssyncset.done $0x0  }
0x3e: {  	s7 =	simm.s32 $0x1100;
	[sflag:s24] =	ssyncadd.s32 $0xFFFFFC00  }
0x3f: {  	[spmem:s2] =	stream.indirect.scatter.add.f32 [tilespmem:s19], [sflag:$0x5], $0x8, s7, s15, $0xb8;
	[tilespmem:$0xF380] =	vst v63  }
0x40: {  	_ =	swait.ge [sflag:s13], $0x400  }
0x41: {  	[sflag:s13] =	ssyncset.done $0x0  }
0x42: {  	s1 =	simm.s32 $0x300;
	[sflag:s13] =	ssyncadd.s32 $0xFFFFFC00  }
0x43: {  	[tilespmem:s19], [sflag:$0x3] =	stream.indirect.gather [hbm4b:s4+s15], $0x8, s1, s15, $0xb8;
	[tilespmem:$0xF380] =	vst v63  }
0x44: {  	_ =	swait.ge [sflag:s25], $0x400  }
0x45: {  	[sflag:s25] =	ssyncset.done $0x0  }
0x46: {  	s7 =	simm.s32 $0x1180;
	[sflag:s25] =	ssyncadd.s32 $0xFFFFFC00  }
0x47: {  	[spmem:s2] =	stream.indirect.scatter.add.f32 [tilespmem:s21], [sflag:$0x5], $0x8, s7, s15, $0xb8;
	[tilespmem:$0xF380] =	vst v63  }
0x48: {  	_ =	swait.ge [sflag:s13], $0x400  }
0x49: {  	[sflag:s13] =	ssyncset.done $0x0  }
0x4a: {  	s0 =	simm.s32 $0x800;
	s1 =	simm.s32 $0x380;
	[sflag:s13] =	ssyncadd.s32 $0xFFFFFC00  }
.LBB2_3:
0x4b: {  	[tilespmem:s21], [sflag:$0x4] =	stream.indirect.gather [hbm4b:s4+s15], $0x8, s1, s15, $0xb8;
	[tilespmem:$0xF380] =	vst v63  }
0x4c: {  	s1 =	smov.u32 s0  }
0x4d: {  	p0 =	sne.s32 s0, $0x3000;
	s0 =	sadd.s32 $0x800, s0;
	_ =	swait.ge [sflag:s22], $0x400  }
0x4e: {  	s1 =	sshra.s32 s1, $0x2;
	[sflag:s22] =	ssyncset.done $0x0  }
0x4f: {  	s7 =	sadd.s32 $0x1000, s1;
	[sflag:s22] =	ssyncadd.s32 $0xFFFFFC00  }
0x50: {  	[spmem:s2] =	stream.indirect.scatter.add.f32 [tilespmem:s16], [sflag:$0x5], $0x8, s7, s15, $0xb8;
	[tilespmem:$0xF380] =	vst v63  }
0x51: {  	_ =	swait.ge [sflag:s13], $0x400  }
0x52: {  	[sflag:s13] =	ssyncset.done $0x0  }
0x53: {  	s7 =	sadd.s32 $0x200, s1;
	[sflag:s13] =	ssyncadd.s32 $0xFFFFFC00  }
0x54: {  	[tilespmem:s16], [sflag:$0x1] =	stream.indirect.gather [hbm4b:s4+s15], $0x8, s7, s15, $0xb8;
	[tilespmem:$0xF380] =	vst v63  }
0x55: {  	_ =	swait.ge [sflag:s23], $0x400  }
0x56: {  	[sflag:s23] =	ssyncset.done $0x0  }
0x57: {  	s7 =	sadd.s32 $0x1080, s1;
	[sflag:s23] =	ssyncadd.s32 $0xFFFFFC00  }
0x58: {  	[spmem:s2] =	stream.indirect.scatter.add.f32 [tilespmem:s17], [sflag:$0x5], $0x8, s7, s15, $0xb8;
	[tilespmem:$0xF380] =	vst v63  }
0x59: {  	_ =	swait.ge [sflag:s13], $0x400  }
0x5a: {  	[sflag:s13] =	ssyncset.done $0x0  }
0x5b: {  	s7 =	sadd.s32 $0x280, s1;
	[sflag:s13] =	ssyncadd.s32 $0xFFFFFC00  }
0x5c: {  	[tilespmem:s17], [sflag:$0x2] =	stream.indirect.gather [hbm4b:s4+s15], $0x8, s7, s15, $0xb8;
	[tilespmem:$0xF380] =	vst v63  }
0x5d: {  	_ =	swait.ge [sflag:s24], $0x400  }
0x5e: {  	[sflag:s24] =	ssyncset.done $0x0  }
0x5f: {  	s7 =	sadd.s32 $0x1100, s1;
	[sflag:s24] =	ssyncadd.s32 $0xFFFFFC00  }
0x60: {  	[spmem:s2] =	stream.indirect.scatter.add.f32 [tilespmem:s19], [sflag:$0x5], $0x8, s7, s15, $0xb8;
	[tilespmem:$0xF380] =	vst v63  }
0x61: {  	_ =	swait.ge [sflag:s13], $0x400  }
0x62: {  	[sflag:s13] =	ssyncset.done $0x0  }
0x63: {  	s7 =	sadd.s32 $0x300, s1;
	[sflag:s13] =	ssyncadd.s32 $0xFFFFFC00  }
0x64: {  	[tilespmem:s19], [sflag:$0x3] =	stream.indirect.gather [hbm4b:s4+s15], $0x8, s7, s15, $0xb8;
	[tilespmem:$0xF380] =	vst v63  }
0x65: {  	_ =	swait.ge [sflag:s25], $0x400  }
0x66: {  	[sflag:s25] =	ssyncset.done $0x0  }
.Ltmp0:
0x67: {  	s7 =	sadd.s32 $0x1180, s1;
	[sflag:s25] =	ssyncadd.s32 $0xFFFFFC00;
	(pc) =	sbr.rel @p0 .LBB2_3-.Ltmp0, $4  }
0x68: {  	[spmem:s2] =	stream.indirect.scatter.add.f32 [tilespmem:s21], [sflag:$0x5], $0x8, s7, s15, $0xb8;
	[tilespmem:$0xF380] =	vst v63  }
0x69: {  	_ =	swait.ge [sflag:s13], $0x400  }
0x6a: {  	[sflag:s13] =	ssyncset.done $0x0  }
0x6b: {  	s1 =	sadd.s32 $0x380, s1;
	[sflag:s13] =	ssyncadd.s32 $0xFFFFFC00  }
0x6c: {  	[tilespmem:s21], [sflag:$0x4] =	stream.indirect.gather [hbm4b:s4+s15], $0x8, s1, s15, $0xb8;
	[tilespmem:$0xF380] =	vst v63  }
0x6d: {  	_ =	swait.ge [sflag:s22], $0x400  }
0x6e: {  	[sflag:s22] =	ssyncset.done $0x0  }
0x6f: {  	[sflag:s22] =	ssyncadd.s32 $0xFFFFFC00  }
0x70: {  	[spmem:s2] =	stream.indirect.scatter.add.f32 [tilespmem:s16], [sflag:$0x5], $0x8, s26, s15, $0xb8;
	[tilespmem:$0xF380] =	vst v63  }
0x71: {  	_ =	swait.ge [sflag:s13], $0x400  }
0x72: {  	[sflag:s13] =	ssyncset.done $0x0  }
0x73: {  	[sflag:s13] =	ssyncadd.s32 $0xFFFFFC00  }
0x74: {  	_ =	swait.ge [sflag:s23], $0x400  }
0x75: {  	[sflag:s23] =	ssyncset.done $0x0  }
0x76: {  	[sflag:s23] =	ssyncadd.s32 $0xFFFFFC00  }
0x77: {  	[spmem:s2] =	stream.indirect.scatter.add.f32 [tilespmem:s17], [sflag:$0x5], $0x8, s28, s15, $0xb8;
	[tilespmem:$0xF380] =	vst v63  }
0x78: {  	_ =	swait.ge [sflag:s13], $0x400  }
0x79: {  	[sflag:s13] =	ssyncset.done $0x0  }
0x7a: {  	[sflag:s13] =	ssyncadd.s32 $0xFFFFFC00  }
0x7b: {  	_ =	swait.ge [sflag:s24], $0x400  }
0x7c: {  	[sflag:s24] =	ssyncset.done $0x0  }
0x7d: {  	[sflag:s24] =	ssyncadd.s32 $0xFFFFFC00  }
0x7e: {  	[spmem:s2] =	stream.indirect.scatter.add.f32 [tilespmem:s19], [sflag:$0x5], $0x8, s29, s15, $0xb8;
	[tilespmem:$0xF380] =	vst v63  }
0x7f: {  	_ =	swait.ge [sflag:s13], $0x400  }
0x80: {  	[sflag:s13] =	ssyncset.done $0x0  }
0x81: {  	[sflag:s13] =	ssyncadd.s32 $0xFFFFFC00  }
0x82: {  	s31 =	sadd.s32 $0x1, s31;
	_ =	swait.ge [sflag:s25], $0x400  }
0x83: {  	p0 =	sne.s32 s31, $0xD;
	[sflag:s25] =	ssyncset.done $0x0  }
.Ltmp1:
0x84: {  	[sflag:s25] =	ssyncadd.s32 $0xFFFFFC00;
	(pc) =	sbr.rel @p0 .LBB2_2-.Ltmp1, $4  }
0x85: {  	[spmem:s2] =	stream.indirect.scatter.add.f32 [tilespmem:s21], [sflag:$0x5], $0x8, s30, s15, $0xb8;
	[tilespmem:$0xF380] =	vst v63  }
0x86: {  	_ =	swait.ge [sflag:s13], $0x400  }
0x87: {  	[sflag:s13] =	ssyncset.done $0x0  }
0x88: {  	[sflag:s13] =	ssyncadd.s32 $0xFFFFFC00  }
0x89: {  	s3 =	sadd.s32 $0x1, s3  }
0x8a: {  	p0 =	sne.s32 s3, s11  }
.Ltmp2:
0x8b: {  	[bflag:$0x0] =	sbarrier.arrive $0xFFFF;
	(pc) =	sbr.rel @p0 .LBB2_1-.Ltmp2, $4  }
0x8c: {  	[hbm:s10], [sflag:s8] =	dma.local [spmem:s12], $0x1870  }
0x8d: {  	_ =	swait.ge [sflag:s13], $0x1870  }
0x8e: {  	[sflag:s13] =	ssyncset.done $0x0  }
0x8f: {  	[sflag:s13] =	ssyncadd.s32 $0xFFFFE790  }
0x90: {  	_ =	sfence.sel $0x180000  }
0x91: {  	[bflag:$0x0] =	sbarrier.arrive $0xFFFF  }
0x92: {  	_ =	strace $0x9000004A  }
0x93: {  	s0 =	stileid.u32;
	[bflag:$0x2] =	sbarrier.arrive $0xFFFF  }
0x94: {  	p0 =	sne.s32 s0, $0x0;
	s0 =	rddreg [dreg:$0x2]  }
0x95: {  	s0 =	sadd.s32 @!p0 $0x100000, s0  }
0x96: {  	[sflag:s0] =	ssyncadd.tile.s32 @!p0 $0x1;
	_ =	shalt  }
.Lfunc_end2:
_tile_overlayer_lowered:
.L_overlay_start_2:
0x97: {  	(tag) =	ssettag $0x2  }
0x98: {  	s0 =	rddreg [dreg:$0x0];
	s2 =	stileid.u32  }
0x99: {  	s1 =	rddreg [dreg:$0x1];
	p0 =	sne.s32 s2, $0x0  }
0x9a: {  	s3 =	rddreg [dreg:$0x2];
	[bflag:$0x3] =	sbarrier.arrive $0xFFFF;
	s2 =	simm.s32 @!p0 $0x1C05  }
0x9b: {  	[timem:s3], [sflag:s2] =	dma.local @!p0 [hbm:s0], s1  }
0x9c: {  	s0 =	simm.s32 @!p0 $0x5  }
0x9d: {  	_ =	swait.ge @!p0 [sflag:s0], s1  }
0x9e: {  	s1 =	ssub.s32 @!p0 $0x0, s1;
	[sflag:s0] =	ssyncset.done @!p0 $0x0  }
0x9f: {  	[sflag:s0] =	ssyncadd.s32 @!p0 s1  }
0xa0: {  	[bflag:$0x3] =	sbarrier.arrive $0xFFFF  }
0xa1: {  	_ =	shalt  }

// kernel: kernel.14.cloned.1.call-start
scs
__scs_entry_jumppad:
0x0: {  	(pc) =	sbr.rel $0x88, $3  }
0x1: {  	(tag) =	ssettag $0x0;
	lr =	simm.s32 $0x1  }
0x2: {  	[smem:$0x3F99] =	sst lr;
	_ =	strace $0xD0000000  }
0x3: {  	_ = 	snop  }
0x4: {  	_ = 	snop  }
0x5: {  	_ = 	snop  }
0x6: {  	_ = 	snop  }
0x7: {  	_ = 	snop  }
__scs_overlays_trampoline_lowered:
0x8: {  	[smem:$0x3FA8] =	sst s0  }
0x9: {  	[smem:$0x3FA9] =	sst s1  }
0xa: {  	[smem:$0x3FAA] =	sst s2  }
0xb: {  	[smem:$0x3FAB] =	sst s3  }
0xc: {  	[smem:$0x3FAC] =	sst s4  }
0xd: {  	[smem:$0x3FAD] =	sst s5  }
0xe: {  	[smem:$0x3FAE] =	sst s6  }
0xf: {  	[smem:$0x3FAF] =	sst s7  }
0x10: {  	[smem:$0x3FB0] =	sst s8  }
0x11: {  	[smem:$0x3FB1] =	sst s9;
	s0 =	simm.s32 @!p0 $0x0  }
0x12: {  	s1 =	sld [smem:$0x3F97];
	s0 =	simm.s32 @p0 $0x1  }
0x13: {  	[smem:$0x3FB2] =	sst s0;
	s0 =	simm.s32 @!p1 $0x0  }
0x14: {  	s2 =	sld [smem:$0x3F96];
	s0 =	simm.s32 @p1 $0x1  }
0x15: {  	[smem:$0x3FB3] =	sst s0;
	s0 =	simm.s32 @!p2 $0x0  }
0x16: {  	s3 =	sld [smem:$0x3FDB];
	s0 =	simm.s32 @p2 $0x1  }
0x17: {  	s4 =	simm.s32 $0x1BF5;
	[smem:$0x3FB5] =	sst s0  }
0x18: {  	s0 =	sld [smem:$0x3F98];
	_ =	swait.ge [sflag:s4], $0x0  }
0x19: {  	s7 =	sld [smem:$0x3F99]  }
0x1a: {  	s8 =	sadd.s32 $0xFFFFE003, lr  }
0x1b: {  	s9 =	sadd.s32 $0xFFFFFEF7, lr;
	s5 =	simm.s32 $0xFFFFFFFF;
	p2 =	slt.u32 s8, $0xFFFFF086  }
0x1c: {  	p1 =	slt.u32 s9, $0xF7A;
	s5 =	simm.s32 @!p2 $0x0  }
0x1d: {  	s5 =	simm.s32 @p1 $0x1;
	p0 =	seq.s32 s7, s2  }
0x1e: {  	s7 =	smul.u32 @!p0 $0xF7A, s2;
	p2 =	seq.s32 @!p0 s5, $0x0  }
0x1f: {  	s9 =	smul.u32 $0xF7A, s1;
	s8 =	simm.s32 @!p0 $0x1BF5;
	p2 =	por !p2, p0  }
0x20: {  	[sflag:s8] =	ssyncset.s32 @!p0 $0xFFFFF086;
	s6 =	sadd.s32 @!p0 s3, s7;
	s7 =	simm.s32 @!p0 $0x108  }
0x21: {  	s3 =	sadd.s32 s3, s9;
	s6 =	sadd.s32 @!p0 $0x88, s6;
	s7 =	simm.s32 @p2 $0x1082  }
0x22: {  	[simem:s7], [sflag:s8] =	dma.local @!p0 [hbm:s6], $0xF7A  }
0x23: {  	s9 =	sor.u32 $0xD0000000, s2;
	s6 =	simm.s32 $0x108;
	_ =	swait.ge @!p0 [sflag:s8], $0x0  }
0x24: {  	s3 =	sadd.s32 $0x88, s3;
	s6 =	simm.s32 @!p1 $0x1082;
	[sflag:s4] =	ssyncset.s32 $0xFFFFF086  }
0x25: {  	[simem:s6], [sflag:s4] =	dma.local [hbm:s3], $0xF7A  }
0x26: {  	[smem:$0x3F99] =	sst s1;
	(tag) =	ssettag s2;
	_ =	strace s9  }
0x27: {  	s1 =	sld [smem:$0x3FA9]  }
0x28: {  	s2 =	sld [smem:$0x3FAA]  }
0x29: {  	s4 =	sld [smem:$0x3FAC]  }
0x2a: {  	p0 =	seq.s32 s5, $0x0;
	s5 =	sld [smem:$0x3FAD]  }
0x2b: {  	s6 =	sld [smem:$0x3FAE]  }
0x2c: {  	s7 =	sld [smem:$0x3FAF]  }
0x2d: {  	s3 =	simm.s32 $0x108;
	s8 =	sld [smem:$0x3FB0]  }
0x2e: {  	s3 =	simm.s32 @!p0 $0x1082;
	s9 =	sld [smem:$0x3FB1]  }
0x2f: {  	lr =	sadd.s32 s0, s3;
	s0 =	sld [smem:$0x3FA8]  }
0x30: {  	s3 =	sld [smem:$0x3FAB]  }
0x31: {  	[smem:$0x3FB4] =	sst s10  }
0x32: {  	s10 =	sld [smem:$0x3FB2];
	_ =	sdelay $0x3  }
0x33: {  	p0 =	seq.s32 s10, $0x1;
	s10 =	sld [smem:$0x3FB4];
	_ =	sdelay $0x3  }
0x34: {  	[smem:$0x3FB4] =	sst s10  }
0x35: {  	s10 =	sld [smem:$0x3FB3];
	_ =	sdelay $0x3  }
0x36: {  	p1 =	seq.s32 s10, $0x1;
	s10 =	sld [smem:$0x3FB4];
	_ =	sdelay $0x3  }
0x37: {  	[smem:$0x3FB4] =	sst s10  }
0x38: {  	s10 =	sld [smem:$0x3FB5]  }
0x39: {  	_ = 	snop;
	(pc) =	sbr.ind lr, $3  }
0x3a: {  	_ = 	snop  }
0x3b: {  	_ = 	snop  }
0x3c: {  	p2 =	seq.s32 s10, $0x1;
	s10 =	sld [smem:$0x3FB4]  }
0x3d: {  	_ =	shalt  }
0x3e: {  	_ =	shalt  }
0x3f: {  	_ =	shalt  }
0x40: {  	_ =	shalt  }
0x41: {  	_ =	shalt  }
0x42: {  	_ =	shalt  }
0x43: {  	_ =	shalt  }
0x44: {  	_ =	shalt  }
0x45: {  	_ =	shalt  }
0x46: {  	_ =	shalt  }
0x47: {  	_ =	shalt  }
0x48: {  	_ =	shalt  }
0x49: {  	_ =	shalt  }
0x4a: {  	_ =	shalt  }
0x4b: {  	_ =	shalt  }
0x4c: {  	_ =	shalt  }
0x4d: {  	_ =	shalt  }
0x4e: {  	_ =	shalt  }
0x4f: {  	_ =	shalt  }
0x50: {  	_ =	shalt  }
0x51: {  	_ =	shalt  }
0x52: {  	_ =	shalt  }
0x53: {  	_ =	shalt  }
0x54: {  	_ =	shalt  }
0x55: {  	_ =	shalt  }
0x56: {  	_ =	shalt  }
0x57: {  	_ =	shalt  }
0x58: {  	_ =	shalt  }
0x59: {  	_ =	shalt  }
0x5a: {  	_ =	shalt  }
0x5b: {  	_ =	shalt  }
0x5c: {  	_ =	shalt  }
0x5d: {  	_ =	shalt  }
0x5e: {  	_ =	shalt  }
0x5f: {  	_ =	shalt  }
0x60: {  	_ =	shalt  }
0x61: {  	_ =	shalt  }
0x62: {  	_ =	shalt  }
0x63: {  	_ =	shalt  }
0x64: {  	_ =	shalt  }
0x65: {  	_ =	shalt  }
0x66: {  	_ =	shalt  }
0x67: {  	_ =	shalt  }
0x68: {  	_ =	shalt  }
0x69: {  	_ =	shalt  }
0x6a: {  	_ =	shalt  }
0x6b: {  	_ =	shalt  }
0x6c: {  	_ =	shalt  }
0x6d: {  	_ =	shalt  }
0x6e: {  	_ =	shalt  }
0x6f: {  	_ =	shalt  }
0x70: {  	_ =	shalt  }
0x71: {  	_ =	shalt  }
0x72: {  	_ =	shalt  }
0x73: {  	_ =	shalt  }
0x74: {  	_ =	shalt  }
0x75: {  	_ =	shalt  }
0x76: {  	_ =	shalt  }
0x77: {  	_ =	shalt  }
0x78: {  	_ =	shalt  }
0x79: {  	_ =	shalt  }
0x7a: {  	_ =	shalt  }
0x7b: {  	_ =	shalt  }
0x7c: {  	_ =	shalt  }
0x7d: {  	_ =	shalt  }
0x7e: {  	_ =	shalt  }
0x7f: {  	_ =	shalt  }
0x80: {  	_ =	shalt  }
0x81: {  	_ =	shalt  }
0x82: {  	_ =	shalt  }
0x83: {  	_ =	shalt  }
0x84: {  	_ =	shalt  }
0x85: {  	_ =	shalt  }
0x86: {  	_ =	shalt  }
0x87: {  	_ =	shalt  }
.Lfunc_end0:
.L_simem_size_0:
called_computation.2_lowered:
.L_overlay_start_0:
0x88: {  	s2 =	sld [smem:$0x3FD9]  }
0x89: {  	s3 =	sld [smem:$0x3FFE];
	_ =	sdelay $0x1  }
0x8a: {  	s1 =	srdreg.scid  }
0x8b: {  	s0 =	sand.u32 $0x1, s1  }
0x8c: {  	s16 =	sshll.u32 s0, $0xA;
	s2 =	sadd.s32 s3, s2  }
0x8d: {  	s2 =	sadd.s32 s2, s16  }
0x8e: {  	[smem:$0x3FC0] =	sst s2  }
0x8f: {  	_ = 	snop  }
0x90: {  	(tm) =	ssettm $0x1  }
0x91: {  	s17 =	sld [smem:$0x3FFB];
	_ =	sdelay $0x3  }
0x92: {  	_ =	strace s17  }
0x93: {  	s2 =	sld [smem:$0x3FFC];
	_ =	sdelay $0x3  }
0x94: {  	_ =	strace s2  }
0x95: {  	s2 =	sld [smem:$0x3FFD];
	_ =	sdelay $0x3  }
0x96: {  	_ =	strace s2  }
0x97: {  	_ =	strace $0x8FFFFFFF  }
0x98: {  	s18 =	sld [smem:$0x3FDB];
	_ =	sdelay $0x1  }
0x99: {  	s19 =	simm.s32 $_scs_section_size  }
0x9a: {  	s4 =	simm.s32 $_size__tile_overlayer_lowered;
	s5 =	simm.s32 $_tile_overlayer_lowered  }
0x9b: {  	s22 =	simm.s32 $0x1BFF;
	s21 =	sshll.u32 s5, $0x1;
	s2 =	sadd.s32 s19, s18  }
0x9c: {  	s6 =	simm.s32 $0x0;
	s20 =	sshll.u32 s4, $0x1;
	s4 =	sadd.s32 s21, s2  }
0x9d: {  	[timem:s6], [sflag:s22] =	dma.local [hbm:s4], s20  }
0x9e: {  	_ =	swait.ge [sflag:s22], s20  }
0x9f: {  	s3 =	ssub.s32 $0x0, s20;
	[sflag:s22] =	ssyncset.done $0x0  }
0xa0: {  	[sflag:s22] =	ssyncadd.s32 s3;
	_ =	sdelay $0x1  }
0xa1: {  	s23 =	simm.s32 $0x1B8B  }
0xa2: {  	_ =	swait.ge [sflag:s23], $0x1  }
0xa3: {  	[sflag:s23] =	ssyncset.done $0x0  }
0xa4: {  	s25 =	simm.s32 $0x1B8E;
	s24 =	sld [smem:$0x3FFE];
	[sflag:s23] =	ssyncadd.s32 $0xFFFFFFFF  }
0xa5: {  	s26 =	simm.s32 $execute0_lowered;
	[smem:$0x3FD2] =	sst s25  }
0xa6: {  	s4 =	sshll.u32 s26, $0x1;
	_ =	strace $0x8000004C;
	[dreg:$0x1] =	wrdreg $0xFFFFFFFF  }
0xa7: {  	s28 =	simm.s32 $_size_execute0_lowered;
	s2 =	sadd.s32 s2, s4;
	[dreg:$0x0] =	wrdreg $0x0  }
0xa8: {  	s4 =	sshll.u32 s28, $0x1;
	[dreg:$0x2] =	wrdreg s2  }
0xa9: {  	[dreg:$0x3] =	wrdreg s4  }
0xaa: {  	[dreg:$0x4] =	wrdreg $0xC0  }
0xab: {  	_ =	task [dreg:s6], $0x5FFFF  }
0xac: {  	[dreg:$0x1] =	wrdreg $0xFFFFFFFF  }
0xad: {  	[dreg:$0x0] =	wrdreg $0x60  }
0xae: {  	[dreg:$0x2] =	wrdreg s24  }
0xaf: {  	[dreg:$0x3] =	wrdreg $0x40000  }
0xb0: {  	[dreg:$0x4] =	wrdreg $0x9  }
0xb1: {  	_ =	task.clear_ibuf [dreg:s6], $0x5FFFF;
	_ =	strace $0x9000004C  }
0xb2: {  	s29 =	simm.s32 $0x9;
	_ =	strace $0x8000004E  }
0xb3: {  	_ =	swait.ge [sflag:s29], $0x1  }
0xb4: {  	[sflag:s29] =	ssyncadd.s32 $0xFFFFFFFF  }
0xb5: {  	_ =	strace $0x9000004E  }
0xb6: {  	_ =	sfence  }
0xb7: {  	s30 =	sld [smem:$0x0];
	_ =	sdelay $0x2  }
0xb8: {  	s31 =	sshll.u32 s1, $0xD;
	s1 =	sshrl.u32 s1, $0x2  }
0xb9: {  	s3 =	sand.u32 $0x4000, s31;
	s1 =	sadd.s32 s1, s30  }
0xba: {  	s0 =	sor.u32 s3, s0;
	s1 =	sshll.u32 s1, $0x11  }
0xbb: {  	s0 =	sor.u32 s1, s0  }
0xbc: {  	s0 =	sadd.s32 $0x8F2B, s0  }
0xbd: {  	[sflag:s0] =	ssyncadd.remote.s32 $0x1  }
0xbe: {  	_ =	sfence.sel $0xFFFF  }
0xbf: {  	[dreg:$0x0] =	wrdreg $0xFFFFFFFF;
	(pc) =	sbr.abs _section_cstart, $3  }
0xc0: {  	[dreg:$0x1] =	wrdreg $0xFFFFFFFF  }
0xc1: {  	_ =	task.clear_ibuf [dreg:s6], $0x2FFFF;
	_ =	strace $0x9FFFFFFF  }
0xc2: {  	(tm) =	ssettm $0x7FFFFFFF  }
0xc3: {  	_ =	shalt  }
tec
execute0_lowered:
.L_overlay_start_1:
0x0: {  	(tag) =	ssettag $0x1  }
0x1: {  	s0 =	rddreg [dreg:$0x0]  }
0x2: {  	s2 =	rddreg [dreg:$0x1];
	s3 =	simm.s32 $0x0  }
0x3: {  	s12 =	stileid.u32;
	s4 =	srdreg.scid;
	s14 =	simm.s32 $0x5  }
0x4: {  	s15 =	simm.s32 $0x1000;
	s16 =	simm.s32 $0x80;
	s17 =	simm.s32 $0x2000  }
0x5: {  	s18 =	simm.s32 $0x2800;
	s19 =	simm.s32 $0x100;
	s20 =	simm.s32 $0x3000  }
0x6: {  	s21 =	simm.s32 $0x180;
	s22 =	simm.s32 $0x3800;
	s28 =	simm.s32 $0x1E00  }
0x7: {  	s29 =	simm.s32 $0x1E80;
	s30 =	simm.s32 $0x1F00;
	s31 =	simm.s32 $0x1F80  }
0x8: {  	[smem:$0x7FF] =	sst s3;
	s1 =	smul.u32 $0x18700, s12;
	s7 =	sand.u32 $0x1, s4  }
0x9: {  	s8 =	smul.u32 $0x30E00, s12;
	s4 =	sadd.s32 $0x162E00, s0;
	s5 =	sadd.s32 $0x99200, s0  }
0xa: {  	s6 =	sadd.s32 $0x3400, s0;
	s26 =	sshll.u32 s12, $0x6;
	_ =	strace $0x8000004D  }
0xb: {  	s9 =	sshll.u32 s7, $0x4;
	s24 =	ssub.s32 $0x2, s7;
	s11 =	smul.u32 $0x1A0000, s7  }
0xc: {  	s7 =	smul.u32 $0x1A000, s12;
	s10 =	sshrl.u32 s1, $0x3;
	s8 =	sor.u32 s9, s8  }
0xd: {  	s25 =	sshrl.u32 s24, $0x1;
	s1 =	sadd.s32 s1, s2;
	s23 =	sadd.s32 s10, s0  }
0xe: {  	s8 =	sshrl.u32 s8, $0x3;
	s10 =	sadd.s32 s11, s7;
	s13 =	sshrl.u32 s1, $0x3  }
0xf: {  	s0 =	sadd.s32 s8, s0;
	s8 =	ssub.s32 s24, s25;
	s9 =	sadd.s32 $0x37400, s23  }
0x10: {  	s23 =	simm.s32 $0x1;
	s24 =	simm.s32 $0x2;
	s25 =	simm.s32 $0x3  }
0x11: {  	[dreg:$0x3] =	wrdreg s9;
	s9 =	sor.u32 $0x1C05, s26;
	s0 =	sadd.s32 $0x1C4A00, s0  }
0x12: {  	s12 =	smax.u32 s8, $0x1;
	s26 =	simm.s32 $0x4;
	[dreg:$0x4] =	wrdreg s0  }
.LBB2_1:
0x13: {  	s0 =	rddreg [dreg:$0x3]  }
0x14: {  	[spmem:s13], [sflag:s9] =	dma.local [hbm:s0], $0x30E0  }
0x15: {  	_ =	swait.ge [sflag:s14], $0x30E0  }
0x16: {  	[sflag:s14] =	ssyncset.done $0x0  }
0x17: {  	[sflag:s14] =	ssyncadd.s32 $0xFFFFCF20  }
0x18: {  	s0 =	simm.s32 $0x0;
	[bflag:$0x0] =	sbarrier.arrive $0xFFFF  }
.LBB2_2:
0x19: {  	s1 =	sshll.u32 s0, $0xC  }
0x1a: {  	s8 =	sadd.s32 s10, s1  }
0x1b: {  	s8 =	sshrl.u32 s8, $0x3  }
0x1c: {  	s11 =	simm.s32 $0x0;
	s8 =	sadd.s32 s5, s8  }
0x1d: {  	[tilespmem:s11], [sflag:$0x5] =	stream.linear.gather [hbm4b:s8+s11], $0x1000, $0x38;
	[tilespmem:$0x1C700] =	vst v63  }
0x1e: {  	s1 =	sadd.s32 s7, s1;
	_ =	swait.ge [sflag:s14], $0x1000  }
0x1f: {  	s1 =	sshrl.u32 s1, $0x3;
	[sflag:s14] =	ssyncset.done $0x0  }
0x20: {  	s1 =	sadd.s32 s6, s1;
	[sflag:s14] =	ssyncadd.s32 $0xFFFFF000  }
0x21: {  	[tilespmem:s15], [sflag:$0x5] =	stream.linear.gather [hbm4b:s1+s11], $0x1000, $0x38;
	[tilespmem:$0x1C700] =	vst v63  }
0x22: {  	_ =	swait.ge [sflag:s14], $0x1000  }
0x23: {  	[sflag:s14] =	ssyncset.done $0x0  }
0x24: {  	[sflag:s14] =	ssyncadd.s32 $0xFFFFF000  }
0x25: {  	[tilespmem:s17], [sflag:$0x1] =	stream.indirect.gather [hbm4b:s4+s16], $0x10, s11, s16, $0xb8;
	[tilespmem:$0x1C700] =	vst v63  }
0x26: {  	_ = 	snop  }
0x27: {  	[tilespmem:s18], [sflag:$0x2] =	stream.indirect.gather [hbm4b:s4+s16], $0x10, s16, s16, $0xb8;
	[tilespmem:$0x1C700] =	vst v63  }
0x28: {  	_ = 	snop  }
0x29: {  	[tilespmem:s20], [sflag:$0x3] =	stream.indirect.gather [hbm4b:s4+s16], $0x10, s19, s16, $0xb8;
	[tilespmem:$0x1C700] =	vst v63  }
0x2a: {  	_ = 	snop  }
0x2b: {  	[tilespmem:s22], [sflag:$0x4] =	stream.indirect.gather [hbm4b:s4+s16], $0x10, s21, s16, $0xb8;
	[tilespmem:$0x1C700] =	vst v63  }
0x2c: {  	_ =	swait.ge [sflag:s23], $0x800  }
0x2d: {  	[sflag:s23] =	ssyncset.done $0x0  }
0x2e: {  	s11 =	simm.s32 $0x1000;
	[sflag:s23] =	ssyncadd.s32 $0xFFFFF800  }
0x2f: {  	[spmem:s2] =	stream.indirect.scatter.add.f32 [tilespmem:s17], [sflag:$0x5], $0x10, s11, s16, $0xb8;
	[tilespmem:$0x1C700] =	vst v63  }
0x30: {  	_ =	swait.ge [sflag:s14], $0x800  }
0x31: {  	[sflag:s14] =	ssyncset.done $0x0  }
0x32: {  	s8 =	simm.s32 $0x200;
	[sflag:s14] =	ssyncadd.s32 $0xFFFFF800  }
0x33: {  	[tilespmem:s17], [sflag:$0x1] =	stream.indirect.gather [hbm4b:s4+s16], $0x10, s8, s16, $0xb8;
	[tilespmem:$0x1C700] =	vst v63  }
0x34: {  	_ =	swait.ge [sflag:s24], $0x800  }
0x35: {  	[sflag:s24] =	ssyncset.done $0x0  }
0x36: {  	s11 =	simm.s32 $0x1080;
	[sflag:s24] =	ssyncadd.s32 $0xFFFFF800  }
0x37: {  	[spmem:s2] =	stream.indirect.scatter.add.f32 [tilespmem:s18], [sflag:$0x5], $0x10, s11, s16, $0xb8;
	[tilespmem:$0x1C700] =	vst v63  }
0x38: {  	_ =	swait.ge [sflag:s14], $0x800  }
0x39: {  	[sflag:s14] =	ssyncset.done $0x0  }
0x3a: {  	s8 =	simm.s32 $0x280;
	[sflag:s14] =	ssyncadd.s32 $0xFFFFF800  }
0x3b: {  	[tilespmem:s18], [sflag:$0x2] =	stream.indirect.gather [hbm4b:s4+s16], $0x10, s8, s16, $0xb8;
	[tilespmem:$0x1C700] =	vst v63  }
0x3c: {  	_ =	swait.ge [sflag:s25], $0x800  }
0x3d: {  	[sflag:s25] =	ssyncset.done $0x0  }
0x3e: {  	s11 =	simm.s32 $0x1100;
	[sflag:s25] =	ssyncadd.s32 $0xFFFFF800  }
0x3f: {  	[spmem:s2] =	stream.indirect.scatter.add.f32 [tilespmem:s20], [sflag:$0x5], $0x10, s11, s16, $0xb8;
	[tilespmem:$0x1C700] =	vst v63  }
0x40: {  	_ =	swait.ge [sflag:s14], $0x800  }
0x41: {  	[sflag:s14] =	ssyncset.done $0x0  }
0x42: {  	s8 =	simm.s32 $0x300;
	[sflag:s14] =	ssyncadd.s32 $0xFFFFF800  }
0x43: {  	[tilespmem:s20], [sflag:$0x3] =	stream.indirect.gather [hbm4b:s4+s16], $0x10, s8, s16, $0xb8;
	[tilespmem:$0x1C700] =	vst v63  }
0x44: {  	_ =	swait.ge [sflag:s26], $0x800  }
0x45: {  	[sflag:s26] =	ssyncset.done $0x0  }
0x46: {  	s11 =	simm.s32 $0x1180;
	[sflag:s26] =	ssyncadd.s32 $0xFFFFF800  }
0x47: {  	[spmem:s2] =	stream.indirect.scatter.add.f32 [tilespmem:s22], [sflag:$0x5], $0x10, s11, s16, $0xb8;
	[tilespmem:$0x1C700] =	vst v63  }
0x48: {  	_ =	swait.ge [sflag:s14], $0x800  }
0x49: {  	[sflag:s14] =	ssyncset.done $0x0  }
0x4a: {  	s1 =	simm.s32 $0x800;
	s8 =	simm.s32 $0x380;
	[sflag:s14] =	ssyncadd.s32 $0xFFFFF800  }
.LBB2_3:
0x4b: {  	[tilespmem:s22], [sflag:$0x4] =	stream.indirect.gather [hbm4b:s4+s16], $0x10, s8, s16, $0xb8;
	[tilespmem:$0x1C700] =	vst v63  }
0x4c: {  	s8 =	smov.u32 s1  }
0x4d: {  	p0 =	sne.s32 s1, $0x3000;
	s1 =	sadd.s32 $0x800, s1;
	_ =	swait.ge [sflag:s23], $0x800  }
0x4e: {  	s8 =	sshra.s32 s8, $0x2;
	[sflag:s23] =	ssyncset.done $0x0  }
0x4f: {  	s11 =	sadd.s32 $0x1000, s8;
	[sflag:s23] =	ssyncadd.s32 $0xFFFFF800  }
0x50: {  	[spmem:s2] =	stream.indirect.scatter.add.f32 [tilespmem:s17], [sflag:$0x5], $0x10, s11, s16, $0xb8;
	[tilespmem:$0x1C700] =	vst v63  }
0x51: {  	_ =	swait.ge [sflag:s14], $0x800  }
0x52: {  	[sflag:s14] =	ssyncset.done $0x0  }
0x53: {  	s11 =	sadd.s32 $0x200, s8;
	[sflag:s14] =	ssyncadd.s32 $0xFFFFF800  }
0x54: {  	[tilespmem:s17], [sflag:$0x1] =	stream.indirect.gather [hbm4b:s4+s16], $0x10, s11, s16, $0xb8;
	[tilespmem:$0x1C700] =	vst v63  }
0x55: {  	_ =	swait.ge [sflag:s24], $0x800  }
0x56: {  	[sflag:s24] =	ssyncset.done $0x0  }
0x57: {  	s11 =	sadd.s32 $0x1080, s8;
	[sflag:s24] =	ssyncadd.s32 $0xFFFFF800  }
0x58: {  	[spmem:s2] =	stream.indirect.scatter.add.f32 [tilespmem:s18], [sflag:$0x5], $0x10, s11, s16, $0xb8;
	[tilespmem:$0x1C700] =	vst v63  }
0x59: {  	_ =	swait.ge [sflag:s14], $0x800  }
0x5a: {  	[sflag:s14] =	ssyncset.done $0x0  }
0x5b: {  	s11 =	sadd.s32 $0x280, s8;
	[sflag:s14] =	ssyncadd.s32 $0xFFFFF800  }
0x5c: {  	[tilespmem:s18], [sflag:$0x2] =	stream.indirect.gather [hbm4b:s4+s16], $0x10, s11, s16, $0xb8;
	[tilespmem:$0x1C700] =	vst v63  }
0x5d: {  	_ =	swait.ge [sflag:s25], $0x800  }
0x5e: {  	[sflag:s25] =	ssyncset.done $0x0  }
0x5f: {  	s11 =	sadd.s32 $0x1100, s8;
	[sflag:s25] =	ssyncadd.s32 $0xFFFFF800  }
0x60: {  	[spmem:s2] =	stream.indirect.scatter.add.f32 [tilespmem:s20], [sflag:$0x5], $0x10, s11, s16, $0xb8;
	[tilespmem:$0x1C700] =	vst v63  }
0x61: {  	_ =	swait.ge [sflag:s14], $0x800  }
0x62: {  	[sflag:s14] =	ssyncset.done $0x0  }
0x63: {  	s11 =	sadd.s32 $0x300, s8;
	[sflag:s14] =	ssyncadd.s32 $0xFFFFF800  }
0x64: {  	[tilespmem:s20], [sflag:$0x3] =	stream.indirect.gather [hbm4b:s4+s16], $0x10, s11, s16, $0xb8;
	[tilespmem:$0x1C700] =	vst v63  }
0x65: {  	_ =	swait.ge [sflag:s26], $0x800  }
0x66: {  	[sflag:s26] =	ssyncset.done $0x0  }
.Ltmp0:
0x67: {  	s11 =	sadd.s32 $0x1180, s8;
	[sflag:s26] =	ssyncadd.s32 $0xFFFFF800;
	(pc) =	sbr.rel @p0 .LBB2_3-.Ltmp0, $4  }
0x68: {  	[spmem:s2] =	stream.indirect.scatter.add.f32 [tilespmem:s22], [sflag:$0x5], $0x10, s11, s16, $0xb8;
	[tilespmem:$0x1C700] =	vst v63  }
0x69: {  	_ =	swait.ge [sflag:s14], $0x800  }
0x6a: {  	[sflag:s14] =	ssyncset.done $0x0  }
0x6b: {  	s8 =	sadd.s32 $0x380, s8;
	[sflag:s14] =	ssyncadd.s32 $0xFFFFF800  }
0x6c: {  	[tilespmem:s22], [sflag:$0x4] =	stream.indirect.gather [hbm4b:s4+s16], $0x10, s8, s16, $0xb8;
	[tilespmem:$0x1C700] =	vst v63  }
0x6d: {  	_ =	swait.ge [sflag:s23], $0x800  }
0x6e: {  	[sflag:s23] =	ssyncset.done $0x0  }
0x6f: {  	[sflag:s23] =	ssyncadd.s32 $0xFFFFF800  }
0x70: {  	[spmem:s2] =	stream.indirect.scatter.add.f32 [tilespmem:s17], [sflag:$0x5], $0x10, s28, s16, $0xb8;
	[tilespmem:$0x1C700] =	vst v63  }
0x71: {  	_ =	swait.ge [sflag:s14], $0x800  }
0x72: {  	[sflag:s14] =	ssyncset.done $0x0  }
0x73: {  	[sflag:s14] =	ssyncadd.s32 $0xFFFFF800  }
0x74: {  	_ =	swait.ge [sflag:s24], $0x800  }
0x75: {  	[sflag:s24] =	ssyncset.done $0x0  }
0x76: {  	[sflag:s24] =	ssyncadd.s32 $0xFFFFF800  }
0x77: {  	[spmem:s2] =	stream.indirect.scatter.add.f32 [tilespmem:s18], [sflag:$0x5], $0x10, s29, s16, $0xb8;
	[tilespmem:$0x1C700] =	vst v63  }
0x78: {  	_ =	swait.ge [sflag:s14], $0x800  }
0x79: {  	[sflag:s14] =	ssyncset.done $0x0  }
0x7a: {  	[sflag:s14] =	ssyncadd.s32 $0xFFFFF800  }
0x7b: {  	_ =	swait.ge [sflag:s25], $0x800  }
0x7c: {  	[sflag:s25] =	ssyncset.done $0x0  }
0x7d: {  	[sflag:s25] =	ssyncadd.s32 $0xFFFFF800  }
0x7e: {  	[spmem:s2] =	stream.indirect.scatter.add.f32 [tilespmem:s20], [sflag:$0x5], $0x10, s30, s16, $0xb8;
	[tilespmem:$0x1C700] =	vst v63  }
0x7f: {  	_ =	swait.ge [sflag:s14], $0x800  }
0x80: {  	[sflag:s14] =	ssyncset.done $0x0  }
0x81: {  	[sflag:s14] =	ssyncadd.s32 $0xFFFFF800  }
0x82: {  	s0 =	sadd.s32 $0x1, s0;
	_ =	swait.ge [sflag:s26], $0x800  }
0x83: {  	p0 =	sne.s32 s0, $0x1A;
	[sflag:s26] =	ssyncset.done $0x0  }
.Ltmp1:
0x84: {  	[sflag:s26] =	ssyncadd.s32 $0xFFFFF800;
	(pc) =	sbr.rel @p0 .LBB2_2-.Ltmp1, $4  }
0x85: {  	[spmem:s2] =	stream.indirect.scatter.add.f32 [tilespmem:s22], [sflag:$0x5], $0x10, s31, s16, $0xb8;
	[tilespmem:$0x1C700] =	vst v63  }
0x86: {  	_ =	swait.ge [sflag:s14], $0x800  }
0x87: {  	[sflag:s14] =	ssyncset.done $0x0  }
0x88: {  	[sflag:s14] =	ssyncadd.s32 $0xFFFFF800  }
0x89: {  	s3 =	sadd.s32 $0x1, s3  }
0x8a: {  	[bflag:$0x0] =	sbarrier.arrive $0xFFFF;
	p0 =	sne.s32 s3, s12  }
.Ltmp2:
0x8b: {  	s0 =	rddreg [dreg:$0x4];
	(pc) =	sbr.rel @p0 .LBB2_1-.Ltmp2, $4  }
0x8c: {  	[hbm:s0@s26], [sflag:s9] =	dma.strided [spmem:s13@s24], $0x30E0, s23, $0x2   }
0x8d: {  	_ =	swait.ge [sflag:s14], $0x30E0  }
0x8e: {  	[sflag:s14] =	ssyncset.done $0x0  }
0x8f: {  	[sflag:s14] =	ssyncadd.s32 $0xFFFFCF20  }
0x90: {  	_ =	sfence.sel $0x180000  }
0x91: {  	[bflag:$0x0] =	sbarrier.arrive $0xFFFF  }
0x92: {  	_ =	strace $0x9000004D  }
0x93: {  	s0 =	stileid.u32;
	[bflag:$0x2] =	sbarrier.arrive $0xFFFF  }
0x94: {  	p0 =	sne.s32 s0, $0x0;
	s0 =	rddreg [dreg:$0x2]  }
0x95: {  	s0 =	sadd.s32 @!p0 $0x100000, s0  }
0x96: {  	[sflag:s0] =	ssyncadd.tile.s32 @!p0 $0x1;
	_ =	shalt  }
.Lfunc_end2:
_tile_overlayer_lowered:
.L_overlay_start_2:
0x97: {  	(tag) =	ssettag $0x2  }
0x98: {  	s0 =	rddreg [dreg:$0x0];
	s2 =	stileid.u32  }
0x99: {  	s1 =	rddreg [dreg:$0x1];
	p0 =	sne.s32 s2, $0x0  }
0x9a: {  	s3 =	rddreg [dreg:$0x2];
	[bflag:$0x3] =	sbarrier.arrive $0xFFFF;
	s2 =	simm.s32 @!p0 $0x1C05  }
0x9b: {  	[timem:s3], [sflag:s2] =	dma.local @!p0 [hbm:s0], s1  }
0x9c: {  	s0 =	simm.s32 @!p0 $0x5  }
0x9d: {  	_ =	swait.ge @!p0 [sflag:s0], s1  }
0x9e: {  	s1 =	ssub.s32 @!p0 $0x0, s1;
	[sflag:s0] =	ssyncset.done @!p0 $0x0  }
0x9f: {  	[sflag:s0] =	ssyncadd.s32 @!p0 s1  }
0xa0: {  	[bflag:$0x3] =	sbarrier.arrive $0xFFFF  }
0xa1: {  	_ =	shalt  }

// kernel: kernel.8.cloned.1.call-start
scs
__scs_entry_jumppad:
0x0: {  	(pc) =	sbr.rel $0x88, $3  }
0x1: {  	(tag) =	ssettag $0x0;
	lr =	simm.s32 $0x1  }
0x2: {  	[smem:$0x3F99] =	sst lr;
	_ =	strace $0xD0000000  }
0x3: {  	_ = 	snop  }
0x4: {  	_ = 	snop  }
0x5: {  	_ = 	snop  }
0x6: {  	_ = 	snop  }
0x7: {  	_ = 	snop  }
__scs_overlays_trampoline_lowered:
0x8: {  	[smem:$0x3FA8] =	sst s0  }
0x9: {  	[smem:$0x3FA9] =	sst s1  }
0xa: {  	[smem:$0x3FAA] =	sst s2  }
0xb: {  	[smem:$0x3FAB] =	sst s3  }
0xc: {  	[smem:$0x3FAC] =	sst s4  }
0xd: {  	[smem:$0x3FAD] =	sst s5  }
0xe: {  	[smem:$0x3FAE] =	sst s6  }
0xf: {  	[smem:$0x3FAF] =	sst s7  }
0x10: {  	[smem:$0x3FB0] =	sst s8  }
0x11: {  	[smem:$0x3FB1] =	sst s9;
	s0 =	simm.s32 @!p0 $0x0  }
0x12: {  	s1 =	sld [smem:$0x3F97];
	s0 =	simm.s32 @p0 $0x1  }
0x13: {  	[smem:$0x3FB2] =	sst s0;
	s0 =	simm.s32 @!p1 $0x0  }
0x14: {  	s2 =	sld [smem:$0x3F96];
	s0 =	simm.s32 @p1 $0x1  }
0x15: {  	[smem:$0x3FB3] =	sst s0;
	s0 =	simm.s32 @!p2 $0x0  }
0x16: {  	s3 =	sld [smem:$0x3FDB];
	s0 =	simm.s32 @p2 $0x1  }
0x17: {  	s4 =	simm.s32 $0x1BF5;
	[smem:$0x3FB5] =	sst s0  }
0x18: {  	s0 =	sld [smem:$0x3F98];
	_ =	swait.ge [sflag:s4], $0x0  }
0x19: {  	s7 =	sld [smem:$0x3F99]  }
0x1a: {  	s8 =	sadd.s32 $0xFFFFE003, lr  }
0x1b: {  	s9 =	sadd.s32 $0xFFFFFEF7, lr;
	s5 =	simm.s32 $0xFFFFFFFF;
	p2 =	slt.u32 s8, $0xFFFFF086  }
0x1c: {  	p1 =	slt.u32 s9, $0xF7A;
	s5 =	simm.s32 @!p2 $0x0  }
0x1d: {  	s5 =	simm.s32 @p1 $0x1;
	p0 =	seq.s32 s7, s2  }
0x1e: {  	s7 =	smul.u32 @!p0 $0xF7A, s2;
	p2 =	seq.s32 @!p0 s5, $0x0  }
0x1f: {  	s9 =	smul.u32 $0xF7A, s1;
	s8 =	simm.s32 @!p0 $0x1BF5;
	p2 =	por !p2, p0  }
0x20: {  	[sflag:s8] =	ssyncset.s32 @!p0 $0xFFFFF086;
	s6 =	sadd.s32 @!p0 s3, s7;
	s7 =	simm.s32 @!p0 $0x108  }
0x21: {  	s3 =	sadd.s32 s3, s9;
	s6 =	sadd.s32 @!p0 $0x88, s6;
	s7 =	simm.s32 @p2 $0x1082  }
0x22: {  	[simem:s7], [sflag:s8] =	dma.local @!p0 [hbm:s6], $0xF7A  }
0x23: {  	s9 =	sor.u32 $0xD0000000, s2;
	s6 =	simm.s32 $0x108;
	_ =	swait.ge @!p0 [sflag:s8], $0x0  }
0x24: {  	s3 =	sadd.s32 $0x88, s3;
	s6 =	simm.s32 @!p1 $0x1082;
	[sflag:s4] =	ssyncset.s32 $0xFFFFF086  }
0x25: {  	[simem:s6], [sflag:s4] =	dma.local [hbm:s3], $0xF7A  }
0x26: {  	[smem:$0x3F99] =	sst s1;
	(tag) =	ssettag s2;
	_ =	strace s9  }
0x27: {  	s1 =	sld [smem:$0x3FA9]  }
0x28: {  	s2 =	sld [smem:$0x3FAA]  }
0x29: {  	s4 =	sld [smem:$0x3FAC]  }
0x2a: {  	p0 =	seq.s32 s5, $0x0;
	s5 =	sld [smem:$0x3FAD]  }
0x2b: {  	s6 =	sld [smem:$0x3FAE]  }
0x2c: {  	s7 =	sld [smem:$0x3FAF]  }
0x2d: {  	s3 =	simm.s32 $0x108;
	s8 =	sld [smem:$0x3FB0]  }
0x2e: {  	s3 =	simm.s32 @!p0 $0x1082;
	s9 =	sld [smem:$0x3FB1]  }
0x2f: {  	lr =	sadd.s32 s0, s3;
	s0 =	sld [smem:$0x3FA8]  }
0x30: {  	s3 =	sld [smem:$0x3FAB]  }
0x31: {  	[smem:$0x3FB4] =	sst s10  }
0x32: {  	s10 =	sld [smem:$0x3FB2];
	_ =	sdelay $0x3  }
0x33: {  	p0 =	seq.s32 s10, $0x1;
	s10 =	sld [smem:$0x3FB4];
	_ =	sdelay $0x3  }
0x34: {  	[smem:$0x3FB4] =	sst s10  }
0x35: {  	s10 =	sld [smem:$0x3FB3];
	_ =	sdelay $0x3  }
0x36: {  	p1 =	seq.s32 s10, $0x1;
	s10 =	sld [smem:$0x3FB4];
	_ =	sdelay $0x3  }
0x37: {  	[smem:$0x3FB4] =	sst s10  }
0x38: {  	s10 =	sld [smem:$0x3FB5]  }
0x39: {  	_ = 	snop;
	(pc) =	sbr.ind lr, $3  }
0x3a: {  	_ = 	snop  }
0x3b: {  	_ = 	snop  }
0x3c: {  	p2 =	seq.s32 s10, $0x1;
	s10 =	sld [smem:$0x3FB4]  }
0x3d: {  	_ =	shalt  }
0x3e: {  	_ =	shalt  }
0x3f: {  	_ =	shalt  }
0x40: {  	_ =	shalt  }
0x41: {  	_ =	shalt  }
0x42: {  	_ =	shalt  }
0x43: {  	_ =	shalt  }
0x44: {  	_ =	shalt  }
0x45: {  	_ =	shalt  }
0x46: {  	_ =	shalt  }
0x47: {  	_ =	shalt  }
0x48: {  	_ =	shalt  }
0x49: {  	_ =	shalt  }
0x4a: {  	_ =	shalt  }
0x4b: {  	_ =	shalt  }
0x4c: {  	_ =	shalt  }
0x4d: {  	_ =	shalt  }
0x4e: {  	_ =	shalt  }
0x4f: {  	_ =	shalt  }
0x50: {  	_ =	shalt  }
0x51: {  	_ =	shalt  }
0x52: {  	_ =	shalt  }
0x53: {  	_ =	shalt  }
0x54: {  	_ =	shalt  }
0x55: {  	_ =	shalt  }
0x56: {  	_ =	shalt  }
0x57: {  	_ =	shalt  }
0x58: {  	_ =	shalt  }
0x59: {  	_ =	shalt  }
0x5a: {  	_ =	shalt  }
0x5b: {  	_ =	shalt  }
0x5c: {  	_ =	shalt  }
0x5d: {  	_ =	shalt  }
0x5e: {  	_ =	shalt  }
0x5f: {  	_ =	shalt  }
0x60: {  	_ =	shalt  }
0x61: {  	_ =	shalt  }
0x62: {  	_ =	shalt  }
0x63: {  	_ =	shalt  }
0x64: {  	_ =	shalt  }
0x65: {  	_ =	shalt  }
0x66: {  	_ =	shalt  }
0x67: {  	_ =	shalt  }
0x68: {  	_ =	shalt  }
0x69: {  	_ =	shalt  }
0x6a: {  	_ =	shalt  }
0x6b: {  	_ =	shalt  }
0x6c: {  	_ =	shalt  }
0x6d: {  	_ =	shalt  }
0x6e: {  	_ =	shalt  }
0x6f: {  	_ =	shalt  }
0x70: {  	_ =	shalt  }
0x71: {  	_ =	shalt  }
0x72: {  	_ =	shalt  }
0x73: {  	_ =	shalt  }
0x74: {  	_ =	shalt  }
0x75: {  	_ =	shalt  }
0x76: {  	_ =	shalt  }
0x77: {  	_ =	shalt  }
0x78: {  	_ =	shalt  }
0x79: {  	_ =	shalt  }
0x7a: {  	_ =	shalt  }
0x7b: {  	_ =	shalt  }
0x7c: {  	_ =	shalt  }
0x7d: {  	_ =	shalt  }
0x7e: {  	_ =	shalt  }
0x7f: {  	_ =	shalt  }
0x80: {  	_ =	shalt  }
0x81: {  	_ =	shalt  }
0x82: {  	_ =	shalt  }
0x83: {  	_ =	shalt  }
0x84: {  	_ =	shalt  }
0x85: {  	_ =	shalt  }
0x86: {  	_ =	shalt  }
0x87: {  	_ =	shalt  }
.Lfunc_end0:
.L_simem_size_0:
called_computation_lowered:
.L_overlay_start_0:
0x88: {  	s2 =	sld [smem:$0x3FD9]  }
0x89: {  	s3 =	sld [smem:$0x3FFE];
	_ =	sdelay $0x1  }
0x8a: {  	s1 =	srdreg.scid  }
0x8b: {  	s0 =	sand.u32 $0x1, s1  }
0x8c: {  	s17 =	sshll.u32 s0, $0xA;
	s2 =	sadd.s32 s3, s2  }
0x8d: {  	s2 =	sadd.s32 s2, s17  }
0x8e: {  	[smem:$0x3FC0] =	sst s2  }
0x8f: {  	_ = 	snop  }
0x90: {  	s2 =	sld [smem:$0x3FD0];
	(tm) =	ssettm $0x1  }
0x91: {  	s18 =	sld [smem:$0x3FFB];
	_ =	sdelay $0x3  }
0x92: {  	_ =	strace s18  }
0x93: {  	s3 =	sld [smem:$0x3FFC];
	_ =	sdelay $0x3  }
0x94: {  	_ =	strace s3  }
0x95: {  	s3 =	sld [smem:$0x3FFD];
	_ =	sdelay $0x3  }
0x96: {  	_ =	strace s3  }
0x97: {  	_ =	strace $0x8FFFFFFF  }
0x98: {  	s19 =	sld [smem:$0x3FDB];
	_ =	sdelay $0x1  }
0x99: {  	s4 =	simm.s32 $_scs_section_size  }
0x9a: {  	s5 =	simm.s32 $_size__tile_overlayer_lowered;
	s6 =	simm.s32 $_tile_overlayer_lowered  }
0x9b: {  	s22 =	simm.s32 $0x1BFF;
	s21 =	sshll.u32 s6, $0x1;
	s3 =	sadd.s32 s4, s19  }
0x9c: {  	s7 =	simm.s32 $0x0;
	s20 =	sshll.u32 s5, $0x1;
	s5 =	sadd.s32 s21, s3  }
0x9d: {  	[timem:s7], [sflag:s22] =	dma.local [hbm:s5], s20  }
0x9e: {  	_ =	swait.ge [sflag:s22], s20  }
0x9f: {  	s4 =	ssub.s32 $0x0, s20;
	[sflag:s22] =	ssyncset.done $0x0  }
0xa0: {  	[sflag:s22] =	ssyncadd.s32 s4;
	_ =	sdelay $0x1  }
0xa1: {  	s23 =	simm.s32 $0x1B8B  }
0xa2: {  	_ =	swait.ge [sflag:s23], $0x1  }
0xa3: {  	[sflag:s23] =	ssyncset.done $0x0  }
0xa4: {  	s25 =	simm.s32 $0x1B8E;
	s24 =	sld [smem:$0x3FFE];
	[sflag:s23] =	ssyncadd.s32 $0xFFFFFFFF  }
0xa5: {  	s26 =	simm.s32 $execute0_lowered;
	[smem:$0x3FD2] =	sst s25  }
0xa6: {  	s5 =	sshll.u32 s26, $0x1;
	_ =	strace $0x80000046;
	[dreg:$0x1] =	wrdreg $0xFFFFFFFF  }
0xa7: {  	s28 =	simm.s32 $_size_execute0_lowered;
	s3 =	sadd.s32 s3, s5;
	[dreg:$0x0] =	wrdreg $0x0  }
0xa8: {  	s5 =	sshll.u32 s28, $0x1;
	[dreg:$0x2] =	wrdreg s3  }
0xa9: {  	[dreg:$0x3] =	wrdreg s5  }
0xaa: {  	[dreg:$0x4] =	wrdreg $0xC0  }
0xab: {  	_ =	task [dreg:s7], $0x5FFFF  }
0xac: {  	[dreg:$0x1] =	wrdreg $0xFFFFFFFF  }
0xad: {  	[dreg:$0x0] =	wrdreg $0x60  }
0xae: {  	[dreg:$0x2] =	wrdreg s24  }
0xaf: {  	[dreg:$0x3] =	wrdreg s2  }
0xb0: {  	[dreg:$0x4] =	wrdreg $0x10800  }
0xb1: {  	[dreg:$0x5] =	wrdreg $0x9  }
0xb2: {  	_ =	task.clear_ibuf [dreg:s7], $0x6FFFF;
	_ =	strace $0x90000046  }
0xb3: {  	s29 =	simm.s32 $0x9;
	_ =	strace $0x80000048  }
0xb4: {  	_ =	swait.ge [sflag:s29], $0x1  }
0xb5: {  	[sflag:s29] =	ssyncadd.s32 $0xFFFFFFFF  }
0xb6: {  	_ =	strace $0x90000048  }
0xb7: {  	_ =	sfence  }
0xb8: {  	s30 =	sld [smem:$0x0];
	_ =	sdelay $0x2  }
0xb9: {  	s31 =	sshll.u32 s1, $0xD;
	s1 =	sshrl.u32 s1, $0x2  }
0xba: {  	s3 =	sand.u32 $0x4000, s31;
	s1 =	sadd.s32 s1, s30  }
0xbb: {  	s0 =	sor.u32 s3, s0;
	s1 =	sshll.u32 s1, $0x11  }
0xbc: {  	s0 =	sor.u32 s1, s0  }
0xbd: {  	s0 =	sadd.s32 $0x8F2B, s0  }
0xbe: {  	[sflag:s0] =	ssyncadd.remote.s32 $0x1  }
0xbf: {  	_ =	sfence.sel $0xFFFF  }
0xc0: {  	[dreg:$0x0] =	wrdreg $0xFFFFFFFF;
	(pc) =	sbr.abs _section_cstart, $3  }
0xc1: {  	[dreg:$0x1] =	wrdreg $0xFFFFFFFF  }
0xc2: {  	_ =	task.clear_ibuf [dreg:s7], $0x2FFFF;
	_ =	strace $0x9FFFFFFF  }
0xc3: {  	(tm) =	ssettm $0x7FFFFFFF  }
tec
execute0_lowered:
.L_overlay_start_1:
0x0: {  	(tag) =	ssettag $0x1  }
0x1: {  	s6 =	rddreg [dreg:$0x0]  }
0x2: {  	s7 =	rddreg [dreg:$0x1];
	s1 =	srdreg.scid  }
0x3: {  	s0 =	stileid.u32;
	s2 =	rddreg [dreg:$0x2]  }
0x4: {  	s3 =	simm.s32 $0x0;
	s14 =	simm.s32 $0x80;
	s15 =	simm.s32 $0x0  }
0x5: {  	s8 =	sand.u32 $0x1, s1;
	s9 =	smul.u32 $0x1C00, s0;
	s1 =	rddreg [dreg:$0x3]  }
0x6: {  	[smem:$0x7FF] =	sst s3;
	s4 =	sadd.s32 $0x3400, s6;
	s12 =	sshll.u32 s0, $0x6  }
0x7: {  	s5 =	smul.u32 $0x1C000, s8;
	_ =	strace $0x80000047;
	s11 =	ssub.s32 $0x2, s8  }
0x8: {  	s8 =	sshll.u32 s8, $0x4;
	s12 =	sor.u32 $0x1C01, s12;
	s30 =	sshrl.u32 s11, $0x1  }
0x9: {  	s8 =	sor.u32 s0, s8;
	s31 =	sshrl.u32 s9, $0x3;
	s13 =	sadd.s32 s9, s2  }
0xa: {  	s10 =	sadd.s32 s9, s5;
	s5 =	sadd.s32 $0x37400, s6;
	s11 =	ssub.s32 s11, s30  }
0xb: {  	s13 =	sshrl.u32 s13, $0x3;
	s10 =	sshrl.u32 s10, $0x3;
	s9 =	smax.u32 s11, $0x1  }
0xc: {  	s11 =	simm.s32 $0x1;
	s10 =	sadd.s32 s10, s6;
	s6 =	sadd.s32 s7, s31  }
0xd: {  	s7 =	smul.u32 $0xD000, s8;
	s8 =	sadd.s32 $0x37600, s10;
	s10 =	simm.s32 $0x1000  }
.LBB2_1:
0xe: {  	[tilespmem:s10], [sflag:$0x1] =	stream.linear.gather [hbm4b:s5+s3], $0x80, $0x38;
	[tilespmem:$0x2C80] =	vst v63  }
0xf: {  	_ =	swait.ge [sflag:s11], $0x80  }
0x10: {  	[sflag:s11] =	ssyncset.done $0x0  }
0x11: {  	[sflag:s11] =	ssyncadd.s32 $0xFFFFFF80  }
0x12: {  	[spmem:s13], [sflag:s12] =	dma.local [hbm:s6], $0x380  }
0x13: {  	_ =	swait.ge [sflag:s11], $0x380  }
0x14: {  	[sflag:s11] =	ssyncset.done $0x0  }
0x15: {  	[sflag:s11] =	ssyncadd.s32 $0xFFFFFC80  }
0x16: {  	s16 =	simm.s32 $0x0;
	[bflag:$0x0] =	sbarrier.arrive $0xFFFF  }
.LBB2_2:
0x17: {  	s17 =	sshll.u32 s16, $0xC  }
0x18: {  	s17 =	sadd.s32 s7, s17  }
0x19: {  	s17 =	sshrl.u32 s17, $0x3  }
0x1a: {  	s18 =	simm.s32 $0x0;
	s17 =	sadd.s32 s4, s17  }
0x1b: {  	[tilespmem:s18], [sflag:$0x1] =	stream.linear.gather [hbm4b:s17+s18], $0x1000, $0x38;
	[tilespmem:$0x2C80] =	vst v63  }
0x1c: {  	_ =	swait.ge [sflag:s11], $0x1000  }
0x1d: {  	[sflag:s11] =	ssyncset.done $0x0  }
0x1e: {  	s31 =	simm.s32 $0x0;
	[sflag:s11] =	ssyncadd.s32 $0xFFFFF000  }
0x1f: {  	[spmem:s2] =	stream.indirect.scatter.add.f32 [tilespmem:s10], [sflag:$0x1], $0x1, s31, s14, $0xb8;
	[tilespmem:$0x2C80] =	vst v63  }
0x20: {  	_ =	swait.ge [sflag:s11], $0x80  }
0x21: {  	s17 =	simm.s32 $0x200;
	[sflag:s11] =	ssyncset.done $0x0  }
.LBB2_3:
0x22: {  	s18 =	sshra.s32 s17, $0x2;
	[sflag:s11] =	ssyncadd.s32 $0xFFFFFF80;
	p0 =	sne.s32 s17, $0x3E00  }
0x23: {  	[spmem:s2] =	stream.indirect.scatter.add.f32 [tilespmem:s10], [sflag:$0x1], $0x1, s18, s14, $0xb8;
	[tilespmem:$0x2C80] =	vst v63  }
.Ltmp0:
0x24: {  	_ = 	snop;
	(pc) =	sbr.rel @p0 .LBB2_3-.Ltmp0, $4  }
0x25: {  	_ = 	snop  }
0x26: {  	s17 =	sadd.s32 $0x200, s17  }
0x27: {  	_ =	swait.ge [sflag:s11], $0x80  }
0x28: {  	[sflag:s11] =	ssyncset.done $0x0  }
0x29: {  	s16 =	sadd.s32 $0x1, s16  }
0x2a: {  	p0 =	sne.s32 s16, $0xD  }
.Ltmp1:
0x2b: {  	_ = 	snop;
	(pc) =	sbr.rel @p0 .LBB2_2-.Ltmp1, $2  }
0x2c: {  	_ =	sdelay $0x2  }
0x2d: {  	[sflag:s11] =	ssyncadd.s32 $0xFFFFFF80  }
0x2e: {  	s15 =	sadd.s32 $0x1, s15  }
0x2f: {  	p0 =	sne.s32 s15, s9  }
.Ltmp2:
0x30: {  	[bflag:$0x0] =	sbarrier.arrive $0xFFFF;
	(pc) =	sbr.rel @p0 .LBB2_1-.Ltmp2, $4  }
0x31: {  	[hbm:s8], [sflag:s12] =	dma.local [spmem:s13], $0x380  }
0x32: {  	_ =	swait.ge [sflag:s11], $0x380  }
0x33: {  	[sflag:s11] =	ssyncset.done $0x0  }
0x34: {  	[sflag:s11] =	ssyncadd.s32 $0xFFFFFC80  }
0x35: {  	_ =	sfence.sel $0x180000  }
0x36: {  	[bflag:$0x0] =	sbarrier.arrive $0xFFFF  }
0x37: {  	p0 =	sne.s32 s0, $0x0;
	_ =	strace $0x90000047  }
0x38: {  	s0 =	sadd.s32 @!p0 $0x100000, s1;
	[bflag:$0x2] =	sbarrier.arrive $0xFFFF  }
0x39: {  	[sflag:s0] =	ssyncadd.tile.s32 @!p0 $0x1;
	_ =	shalt  }
.Lfunc_end2:
_tile_overlayer_lowered:
.L_overlay_start_2:
0x3a: {  	(tag) =	ssettag $0x2  }
0x3b: {  	s0 =	rddreg [dreg:$0x0];
	s2 =	stileid.u32  }
0x3c: {  	s1 =	rddreg [dreg:$0x1];
	p0 =	sne.s32 s2, $0x0  }
0x3d: {  	s3 =	rddreg [dreg:$0x2];
	[bflag:$0x3] =	sbarrier.arrive $0xFFFF;
	s2 =	simm.s32 @!p0 $0x1C01  }
0x3e: {  	[timem:s3], [sflag:s2] =	dma.local @!p0 [hbm:s0], s1  }
0x3f: {  	s0 =	simm.s32 @!p0 $0x1  }
0x40: {  	_ =	swait.ge @!p0 [sflag:s0], s1  }
0x41: {  	s1 =	ssub.s32 @!p0 $0x0, s1;
	[sflag:s0] =	ssyncset.done @!p0 $0x0  }
0x42: {  	[sflag:s0] =	ssyncadd.s32 @!p0 s1  }
0x43: {  	[bflag:$0x3] =	sbarrier.arrive $0xFFFF  }
0x44: {  	_ =	shalt  }

</sc_bundles>
